<compile_context>
chip_gen: v7x
topology: tpu7x:2x2x1
jax: 0.10.2.dev20260603
libtpu: 0.0.44.dev20260713+nightly
codegen_flags: <defaults>
</compile_context>

<pallas_src>
import functools

import jax
import jax.numpy as jnp
from jax import lax
from jax.experimental import pallas as pl
from jax.experimental.pallas import tpu as pltpu
from jax.experimental.pallas import tpu_sc as plsc



_CHUNK = 80
_KI = 4
_KR = 2


@functools.lru_cache(maxsize=None)
def _make_sc_aggregate(N, D, E):
    info = plsc.get_sparse_core_info()
    NC, NS, L = info.num_cores, info.num_subcores, info.num_lanes
    NW = NC * NS
    EPW = E // NW
    C = _CHUNK
    NCH = EPW // C
    MAIN = (NCH - 5) // 4 * 4
    assert NCH >= 8
    RPT8 = (N // NS) // 8 * 8
    TAIL = N - NS * RPT8
    mesh = plsc.VectorSubcoreMesh(core_axis_name="c", subcore_axis_name="s")

    @functools.partial(
        pl.kernel,
        mesh=mesh,
        compiler_params=pltpu.CompilerParams(needs_layout_passes=False),
        out_type=(
            jax.ShapeDtypeStruct((N, D), jnp.float32),
            jax.ShapeDtypeStruct((N, D), jnp.float32),
            jax.ShapeDtypeStruct((NW * N,), jnp.float32),
        ),
        scratch_types=[
            *([pltpu.VMEM((2, C), jnp.int32)] * _KI),
            *([pltpu.VMEM((C, D), jnp.float32)] * _KR),
            pltpu.VMEM((N,), jnp.float32),
            pltpu.VMEM_SHARED((N, D), jnp.float32),
            *([pltpu.SemaphoreType.DMA] * (_KI + 2 * _KR)),
        ],
    )
    def sc_aggregate(feat_hbm, edges_hbm, zeros_hbm,
                     p0_hbm, p1_hbm, hist_hbm,
                     idx0, idx1, idx2, idx3, rows0, rows1, hist, acc,
                     isem0, isem1, isem2, isem3, gsem0, gsem1, ssem0, ssem1):
        idxb = [idx0, idx1, idx2, idx3]
        rows = [rows0, rows1]
        isem = [isem0, isem1, isem2, isem3]
        gsem = [gsem0, gsem1]
        ssem = [ssem0, ssem1]
        cid = lax.axis_index("c")
        sid = lax.axis_index("s")
        wid = cid * NS + sid

        r0 = pl.multiple_of(sid * RPT8, 8)

        def copy_rows(read, write, sem):
            pltpu.async_copy(read.at[pl.ds(r0, RPT8)],
                             write.at[pl.ds(r0, RPT8)], sem)
            if TAIL:
                @pl.when(sid == NS - 1)
                def _():
                    t0 = NS * RPT8
                    pltpu.async_copy(read.at[pl.ds(t0, TAIL)],
                                     write.at[pl.ds(t0, TAIL)], sem)

        def wait_rows(read, write, sem):
            pltpu.make_async_copy(read.at[pl.ds(r0, RPT8)],
                                  write.at[pl.ds(r0, RPT8)], sem).wait()
            if TAIL:
                @pl.when(sid == NS - 1)
                def _():
                    t0 = NS * RPT8
                    pltpu.make_async_copy(read.at[pl.ds(t0, TAIL)],
                                          write.at[pl.ds(t0, TAIL)],
                                          sem).wait()

        copy_rows(zeros_hbm, acc, gsem0)

        def zero_hist(j, carry):
            hist[pl.ds(j * L, L)] = jnp.zeros((L,), jnp.float32)
            return carry

        lax.fori_loop(0, N // L, zero_hist, 0)
        wait_rows(zeros_hbm, acc, gsem0)

        ones = jnp.ones((L,), jnp.float32)

        def load_idx(i, b):
            pltpu.async_copy(edges_hbm.at[wid, i], idxb[b], isem[b])

        def wait_idx(b):
            pltpu.make_async_copy(edges_hbm.at[0, 0], idxb[b], isem[b]).wait()

        def start_gather(i, b, bi):
            pltpu.async_copy(feat_hbm.at[idxb[bi].at[0]], rows[b], gsem[b])

        def wait_gather(b):
            pltpu.make_async_copy(zeros_hbm.at[pl.ds(0, C)], rows[b],
                                  gsem[b]).wait()

        def start_scatter(b, bi):
            pltpu.async_copy(rows[b], acc.at[idxb[bi].at[1]], ssem[b],
                             add=True)

        def wait_scatter(b):
            pltpu.make_async_copy(zeros_hbm.at[pl.ds(0, C)], rows[b],
                                  ssem[b]).wait()

        def do_hist(bi):
            row = idxb[bi].at[1]
            for j in range(C // L):
                idx = row[pl.ds(j * L, L)]
                plsc.addupdate_scatter(hist, [idx], ones)

        def iteration(i, j, tail):
            if (not tail) or (i + 2 <= NCH - 1):
                load_idx(i + 2, (j + 2) % _KI)
            if (not tail) or (i + 1 <= NCH - 1):
                wait_idx((j + 1) % _KI)
                if isinstance(i, int):
                    if i >= 1:
                        wait_scatter((j + 1) % _KR)
                else:
                    @pl.when(i >= 1)
                    def _():
                        wait_scatter((j + 1) % _KR)
                start_gather(i + 1, (j + 1) % _KR, (j + 1) % _KI)
            wait_gather(j % _KR)
            start_scatter(j % _KR, j % _KI)
            do_hist(j % _KI)

        load_idx(0, 0)
        load_idx(1, 1)
        wait_idx(0)
        start_gather(0, 0, 0)
        plsc.subcore_barrier()

        def body(i0, carry):
            for j in range(4):
                iteration(i0 * 4 + j, j, tail=False)
            return carry

        lax.fori_loop(0, MAIN // 4, body, 0)

        for i in range(MAIN, NCH):
            iteration(i, i % 4, tail=True)
        wait_scatter((NCH - 2) % _KR)
        wait_scatter((NCH - 1) % _KR)
        plsc.subcore_barrier()

        @pl.when(cid == 0)
        def _():
            copy_rows(acc, p0_hbm, gsem0)

        @pl.when(cid == 1)
        def _():
            copy_rows(acc, p1_hbm, gsem0)

        h0 = pl.multiple_of(wid * N, 8)
        pltpu.sync_copy(hist, hist_hbm.at[pl.ds(h0, N)])

        @pl.when(cid == 0)
        def _():
            wait_rows(acc, p0_hbm, gsem0)

        @pl.when(cid == 1)
        def _():
            wait_rows(acc, p1_hbm, gsem0)

    return sc_aggregate



_DN = (((1,), (1,)), ((), ()))


def _dense_body(f_ref, p0_ref, p1_ref, hT_ref,
                wc0_ref, wn0_ref, wr0_ref, wc1_ref, wn1_ref, wr1_ref,
                aw_ref, wf_ref, bc0_ref, br0_ref, bc1_ref, br1_ref, bf_ref,
                o_ref):
    deg = jnp.maximum(jnp.sum(hT_ref[...], axis=1), 1.0)
    nm = (p0_ref[...] + p1_ref[...]) / deg[:, None]
    f = f_ref[...]

    t0 = (lax.dot_general(f, wc0_ref[...], _DN)
          + lax.dot_general(nm, wn0_ref[...], _DN) + bc0_ref[...])
    h0 = jnp.maximum(lax.dot_general(t0, wr0_ref[...], _DN) + br0_ref[...], 0.0)

    t1 = (lax.dot_general(f, wc1_ref[...], _DN)
          + lax.dot_general(nm, wn1_ref[...], _DN) + bc1_ref[...])
    h1 = jnp.maximum(lax.dot_general(t1, wr1_ref[...], _DN) + br1_ref[...], 0.0)

    aw = aw_ref[...]
    e = jnp.exp(aw - jnp.max(aw, axis=0, keepdims=True))
    w = e / jnp.sum(e, axis=0, keepdims=True)
    mix = w[0:1, :] * h0 + w[1:2, :] * h1

    o_ref[...] = lax.dot_general(mix, wf_ref[...], _DN) + bf_ref[...]


@functools.lru_cache(maxsize=None)
def _make_dense(N, D, H, OUT, BLK):
    grid = (N // BLK,)
    row = lambda i: (i, 0)
    col = lambda i: (0, i)
    rep = lambda i: (0, 0)

    def bs(shape, imap):
        return pl.BlockSpec(shape, imap)

    return pl.pallas_call(
        _dense_body,
        grid=grid,
        in_specs=[
            bs((BLK, D), row),
            bs((BLK, D), row),
            bs((BLK, D), row),
            bs((BLK, 32), row),
            bs((H, D), rep), bs((H, D), rep), bs((H, H), rep),
            bs((H, D), rep), bs((H, D), rep), bs((H, H), rep),
            bs((2, H), rep),
            bs((OUT, H), rep),
            bs((1, H), rep), bs((1, H), rep),
            bs((1, H), rep), bs((1, H), rep),
            bs((1, OUT), rep),
        ],
        out_specs=bs((BLK, OUT), row),
        out_shape=jax.ShapeDtypeStruct((N, OUT), jnp.float32),
    )



def kernel(features, edge_index,
           W_neigh0, W_self0, b_sage0, W_lin0, b_lin0, W_res0, b_res0,
           W_neigh1, W_self1, b_sage1, W_lin1, b_lin1, W_res1, b_res1,
           attn_w, W_final, b_final):
    N, D = features.shape
    E = edge_index.shape[1]
    H = W_neigh0.shape[0]
    OUT = W_final.shape[0]

    NW = 32
    NCH = E // NW // _CHUNK
    edges = edge_index.reshape(2, NW, NCH, _CHUNK).transpose(1, 2, 0, 3)
    zeros_nd = jnp.zeros((N, D), jnp.float32)

    p0, p1, hists = _make_sc_aggregate(N, D, E)(features, edges, zeros_nd)

    out = _make_dense(N, D, H, OUT, 2000)(
        features, p0, p1, hists.reshape(32, N).T,
        W_self0 + W_lin0, W_neigh0, W_res0,
        W_self1 + W_lin1, W_neigh1, W_res1,
        attn_w, W_final,
        (b_sage0 + b_lin0).reshape(1, H), b_res0.reshape(1, H),
        (b_sage1 + b_lin1).reshape(1, H), b_res1.reshape(1, H),
        b_final.reshape(1, OUT),
    )
    return out

# --- scband reference (transcript-rebuilt; emitter-appended) ---
"""Pipeline reference for scband-sc-para-la-g-28329604284606 (READ-ONLY COPY).

The authoritative reference and input builder live on the scoring server;
editing this copy changes nothing except your own understanding.
"""

import jax, jax.numpy as jnp
import numpy as np

N = 10000
E = 320000
D = 128
H = 128
OUT = 128


def _linear_params(key, out_dim, in_dim):
    k1, k2 = jax.random.split(key)
    W = jax.random.normal(k1, (out_dim, in_dim), dtype=jnp.float32) * 0.05
    b = jax.random.normal(k2, (out_dim,), dtype=jnp.float32) * 0.05
    return W, b


def setup_inputs(seed: int = 0) -> dict:
    key = jax.random.key(seed)
    ks = jax.random.split(key, 24)
    features = jax.random.normal(ks[0], (N, D), dtype=jnp.float32)
    edge_index = jax.random.randint(ks[1], (2, E), 0, N, dtype=jnp.int32)
    inp = {"features": features, "edge_index": edge_index}
    # layer 0 params
    inp["W_neigh0"] = jax.random.normal(ks[2], (H, D), dtype=jnp.float32) * 0.05
    inp["W_self0"] = jax.random.normal(ks[3], (H, D), dtype=jnp.float32) * 0.05
    inp["b_sage0"] = jnp.zeros((H,), dtype=jnp.float32)
    inp["W_lin0"], inp["b_lin0"] = _linear_params(ks[4], H, D)
    inp["W_res0"], inp["b_res0"] = _linear_params(ks[5], H, H)
    # layer 1 params
    inp["W_neigh1"] = jax.random.normal(ks[6], (H, D), dtype=jnp.float32) * 0.05
    inp["W_self1"] = jax.random.normal(ks[7], (H, D), dtype=jnp.float32) * 0.05
    inp["b_sage1"] = jnp.zeros((H,), dtype=jnp.float32)
    inp["W_lin1"], inp["b_lin1"] = _linear_params(ks[8], H, D)
    inp["W_res1"], inp["b_res1"] = _linear_params(ks[9], H, H)
    # layer attention + final linear
    inp["attn_w"] = jax.random.normal(ks[10], (2, H), dtype=jnp.float32) * 0.05
    inp["W_final"], inp["b_final"] = _linear_params(ks[11], OUT, H)
    return inp


def _sage_mean(feats, edge_index, W_neigh, W_self, b):
    src = edge_index[0]
    dst = edge_index[1]
    ones = jnp.ones((edge_index.shape[1],), dtype=jnp.float32)
    deg = jax.ops.segment_sum(ones, dst, num_segments=N)
    neigh_sum = jax.ops.segment_sum(jnp.take(feats, src, axis=0), dst, num_segments=N)
    neigh_mean = neigh_sum / jnp.clip(deg, 1.0)[:, None]
    return feats @ W_self.T + neigh_mean @ W_neigh.T + b


def reference(features, edge_index,
              W_neigh0, W_self0, b_sage0, W_lin0, b_lin0, W_res0, b_res0,
              W_neigh1, W_self1, b_sage1, W_lin1, b_lin1, W_res1, b_res1,
              attn_w, W_final, b_final):
    layer_params = [
        (W_neigh0, W_self0, b_sage0, W_lin0, b_lin0, W_res0, b_res0),
        (W_neigh1, W_self1, b_sage1, W_lin1, b_lin1, W_res1, b_res1),
    ]
    layer_outputs = []
    for (Wn, Ws, bs, Wl, bl, Wr, br) in layer_params:
        conv_h = _sage_mean(features, edge_index, Wn, Ws, bs)
        linear_h = features @ Wl.T + bl
        conv_linear = conv_h + linear_h
        h = conv_linear @ Wr.T + br
        h = jax.nn.relu(h)
        # dropout_rate = 0.0 (eval) -> identity
        layer_outputs.append(h)
    norm_w = jax.nn.softmax(attn_w, axis=0)
    weighted = norm_w[0] * layer_outputs[0] + norm_w[1] * layer_outputs[1]
    out = weighted @ W_final.T + b_final
    return out

if __name__ == "__main__":
    import jax
    _d = setup_inputs()
    print(jax.jit(kernel)(*tuple(_d.values())))

</pallas_src>

<mosaic_0001>
#map = affine_map<(d0, d1) -> (0, 0)>
#map1 = affine_map<(d0, d1) -> (0, 0, 0, 0)>
#map2 = affine_map<(d0, d1) -> (0)>
module attributes {stable_mosaic.version = 14 : i64} {
  func.func @sc_aggregate(%arg0: i32, %arg1: i32, %arg2: memref<10000x128xf32, #tpu.memory_space<hbm>>, %arg3: memref<32x125x2x80xi32, #tpu.memory_space<hbm>>, %arg4: memref<10000x128xf32, #tpu.memory_space<hbm>>, %arg5: memref<10000x128xf32, #tpu.memory_space<hbm>>, %arg6: memref<10000x128xf32, #tpu.memory_space<hbm>>, %arg7: memref<320000xf32, #tpu.memory_space<hbm>>, %arg8: memref<2x80xi32, #tpu.memory_space<vmem>>, %arg9: memref<2x80xi32, #tpu.memory_space<vmem>>, %arg10: memref<2x80xi32, #tpu.memory_space<vmem>>, %arg11: memref<2x80xi32, #tpu.memory_space<vmem>>, %arg12: memref<80x128xf32, #tpu.memory_space<vmem>>, %arg13: memref<80x128xf32, #tpu.memory_space<vmem>>, %arg14: memref<10000xf32, #tpu.memory_space<vmem>>, %arg15: memref<10000x128xf32, #tpu.memory_space<vmem_shared>>, %arg16: memref<!tpu.dma_semaphore, #tpu.memory_space<semaphore_mem>>, %arg17: memref<!tpu.dma_semaphore, #tpu.memory_space<semaphore_mem>>, %arg18: memref<!tpu.dma_semaphore, #tpu.memory_space<semaphore_mem>>, %arg19: memref<!tpu.dma_semaphore, #tpu.memory_space<semaphore_mem>>, %arg20: memref<!tpu.dma_semaphore, #tpu.memory_space<semaphore_mem>>, %arg21: memref<!tpu.dma_semaphore, #tpu.memory_space<semaphore_mem>>, %arg22: memref<!tpu.dma_semaphore, #tpu.memory_space<semaphore_mem>>, %arg23: memref<!tpu.dma_semaphore, #tpu.memory_space<semaphore_mem>>) attributes {dimension_semantics = [#tpu.dimension_semantics<core_parallel>, #tpu.dimension_semantics<subcore_parallel>], iteration_bounds = array<i64: 2, 16>, scalar_prefetch = 0 : i64, scratch_operands = 16 : i64, tpu.core_type = #tpu.core_type<sc_vector_subcore>, window_params = [{transform_indices = #map}, {transform_indices = #map1}, {transform_indices = #map}, {transform_indices = #map}, {transform_indices = #map}, {transform_indices = #map2}]} {
    %mul3A = arith.constant 16 : i32
    %mul3A_0 = arith.muli %arg0, %mul3A : i32
    %add3A = arith.addi %mul3A_0, %arg1 : i32
    %mul3A_1 = arith.constant 624 : i32
    %mul3A_2 = arith.muli %arg1, %mul3A_1 : i32
    %multiple_of3A = tpu.assume_multiple %mul3A_2, 8 : i32
    %dma_start3A = arith.constant 0 : i32
    %dma_start3A_3 = tpu.memref_slice %arg15[%multiple_of3A, %dma_start3A] : memref<10000x128xf32, #tpu.memory_space<vmem_shared>> -> memref<624x128xf32, #tpu.memory_space<vmem_shared>>
    %dma_start3A_4 = arith.constant 0 : i32
    %dma_start3A_5 = tpu.memref_slice %arg4[%multiple_of3A, %dma_start3A_4] : memref<10000x128xf32, #tpu.memory_space<hbm>> -> memref<624x128xf32, #tpu.memory_space<hbm>>
    tpu.enqueue_dma source(%dma_start3A_5 : memref<624x128xf32, #tpu.memory_space<hbm>>) target(%dma_start3A_3 : memref<624x128xf32, #tpu.memory_space<vmem_shared>>) target_semaphore(%arg20 : memref<!tpu.dma_semaphore, #tpu.memory_space<semaphore_mem>>)
    %eq3A = arith.constant 15 : i32
    %eq3A_6 = arith.cmpi eq, %arg1, %eq3A : i32
    %convert_element_type3A = arith.extui %eq3A_6 : i1 to i32
    %cond3A = arith.constant 0 : i32
    %cond3A_7 = arith.cmpi ne, %convert_element_type3A, %cond3A : i32
    scf.if %cond3A_7 {
      %dma_start3A_432 = arith.constant 9984 : i32
      %dma_start3A_433 = arith.constant 0 : i32
      %dma_start3A_434 = tpu.memref_slice %arg15[%dma_start3A_432, %dma_start3A_433] : memref<10000x128xf32, #tpu.memory_space<vmem_shared>> -> memref<16x128xf32, #tpu.memory_space<vmem_shared>>
      %dma_start3A_435 = arith.constant 9984 : i32
      %dma_start3A_436 = arith.constant 0 : i32
      %dma_start3A_437 = tpu.memref_slice %arg4[%dma_start3A_435, %dma_start3A_436] : memref<10000x128xf32, #tpu.memory_space<hbm>> -> memref<16x128xf32, #tpu.memory_space<hbm>>
      tpu.enqueue_dma source(%dma_start3A_437 : memref<16x128xf32, #tpu.memory_space<hbm>>) target(%dma_start3A_434 : memref<16x128xf32, #tpu.memory_space<vmem_shared>>) target_semaphore(%arg20 : memref<!tpu.dma_semaphore, #tpu.memory_space<semaphore_mem>>)
    } else {
    }
    %scan3A = arith.constant 0 : i32
    %scan3A_8 = arith.constant 0 : i32
    %scan3A_9 = arith.constant 625 : i32
    %scan3A_10 = arith.addi %scan3A_8, %scan3A_9 : i32
    %scan3A_11 = arith.constant 1 : i32
    scf.for %scan3A_432 = %scan3A_8 to %scan3A_10 step %scan3A_11  : i32 {
      %broadcast_in_dim3A_433 = arith.constant 0.000000e+00 : f32
      %broadcast_in_dim3A_434 = vector.broadcast %broadcast_in_dim3A_433 : f32 to vector<16xf32>
      %mul3A_435 = arith.constant 16 : i32
      %mul3A_436 = arith.muli %scan3A_432, %mul3A_435 : i32
      %swap3A = arith.index_cast %mul3A_436 : i32 to index
      %swap3A_437 = tpu.vector_load %arg14[%swap3A] {strides = array<i32>} : memref<10000xf32, #tpu.memory_space<vmem>>, vector<16xf32>,
      tpu.vector_store %arg14[%swap3A], %broadcast_in_dim3A_434 {strides = array<i32>} : memref<10000xf32, #tpu.memory_space<vmem>>, vector<16xf32>,
    }
    %scan3A_12 = arith.constant 625 : i32
    %dma_wait3A = arith.constant 0 : i32
    %dma_wait3A_13 = tpu.memref_slice %arg15[%multiple_of3A, %dma_wait3A] : memref<10000x128xf32, #tpu.memory_space<vmem_shared>> -> memref<624x128xf32, #tpu.memory_space<vmem_shared>>
    %dma_wait3A_14 = arith.constant 0 : i32
    %dma_wait3A_15 = tpu.memref_slice %arg4[%multiple_of3A, %dma_wait3A_14] : memref<10000x128xf32, #tpu.memory_space<hbm>> -> memref<624x128xf32, #tpu.memory_space<hbm>>
    tpu.wait_dma2 semaphore(%arg20 : memref<!tpu.dma_semaphore, #tpu.memory_space<semaphore_mem>>) src(%dma_wait3A_15 : memref<624x128xf32, #tpu.memory_space<hbm>>) dst(%dma_wait3A_13 : memref<624x128xf32, #tpu.memory_space<vmem_shared>>)
    %eq3A_16 = arith.constant 15 : i32
    %eq3A_17 = arith.cmpi eq, %arg1, %eq3A_16 : i32
    %convert_element_type3A_18 = arith.extui %eq3A_17 : i1 to i32
    %cond3A_19 = arith.constant 0 : i32
    %cond3A_20 = arith.cmpi ne, %convert_element_type3A_18, %cond3A_19 : i32
    scf.if %cond3A_20 {
      %dma_wait3A_432 = arith.constant 9984 : i32
      %dma_wait3A_433 = arith.constant 0 : i32
      %dma_wait3A_434 = tpu.memref_slice %arg15[%dma_wait3A_432, %dma_wait3A_433] : memref<10000x128xf32, #tpu.memory_space<vmem_shared>> -> memref<16x128xf32, #tpu.memory_space<vmem_shared>>
      %dma_wait3A_435 = arith.constant 9984 : i32
      %dma_wait3A_436 = arith.constant 0 : i32
      %dma_wait3A_437 = tpu.memref_slice %arg4[%dma_wait3A_435, %dma_wait3A_436] : memref<10000x128xf32, #tpu.memory_space<hbm>> -> memref<16x128xf32, #tpu.memory_space<hbm>>
      tpu.wait_dma2 semaphore(%arg20 : memref<!tpu.dma_semaphore, #tpu.memory_space<semaphore_mem>>) src(%dma_wait3A_437 : memref<16x128xf32, #tpu.memory_space<hbm>>) dst(%dma_wait3A_434 : memref<16x128xf32, #tpu.memory_space<vmem_shared>>)
    } else {
    }
    %broadcast_in_dim3A = arith.constant 1.000000e+00 : f32
    %broadcast_in_dim3A_21 = vector.broadcast %broadcast_in_dim3A : f32 to vector<16xf32>
    %dma_start3A_22 = arith.constant 0 : i32
    %dma_start3A_23 = arith.constant 0 : i32
    %dma_start3A_24 = arith.constant 0 : i32
    %dma_start3A_25 = tpu.memref_slice %arg3[%add3A, %dma_start3A_22, %dma_start3A_23, %dma_start3A_24] : memref<32x125x2x80xi32, #tpu.memory_space<hbm>> -> memref<1x1x2x80xi32, #tpu.memory_space<hbm>>
    %dma_start3A_26 = tpu.memref_squeeze %dma_start3A_25 : memref<1x1x2x80xi32, #tpu.memory_space<hbm>> -> memref<2x80xi32, #tpu.memory_space<hbm>>
    %dma_start3A_27 = arith.constant 0 : i32
    %dma_start3A_28 = arith.constant 0 : i32
    %dma_start3A_29 = tpu.memref_slice %arg3[%add3A, %dma_start3A_22, %dma_start3A_27, %dma_start3A_28] : memref<32x125x2x80xi32, #tpu.memory_space<hbm>> -> memref<1x1x2x80xi32, #tpu.memory_space<hbm>>
    %dma_start3A_30 = tpu.memref_squeeze %dma_start3A_29 : memref<1x1x2x80xi32, #tpu.memory_space<hbm>> -> memref<2x80xi32, #tpu.memory_space<hbm>>
    tpu.enqueue_dma source(%dma_start3A_30 : memref<2x80xi32, #tpu.memory_space<hbm>>) target(%arg8 : memref<2x80xi32, #tpu.memory_space<vmem>>) target_semaphore(%arg16 : memref<!tpu.dma_semaphore, #tpu.memory_space<semaphore_mem>>)
    %dma_start3A_31 = arith.constant 1 : i32
    %dma_start3A_32 = arith.constant 0 : i32
    %dma_start3A_33 = arith.constant 0 : i32
    %dma_start3A_34 = tpu.memref_slice %arg3[%add3A, %dma_start3A_31, %dma_start3A_32, %dma_start3A_33] : memref<32x125x2x80xi32, #tpu.memory_space<hbm>> -> memref<1x1x2x80xi32, #tpu.memory_space<hbm>>
    %dma_start3A_35 = tpu.memref_squeeze %dma_start3A_34 : memref<1x1x2x80xi32, #tpu.memory_space<hbm>> -> memref<2x80xi32, #tpu.memory_space<hbm>>
    %dma_start3A_36 = arith.constant 0 : i32
    %dma_start3A_37 = arith.constant 0 : i32
    %dma_start3A_38 = tpu.memref_slice %arg3[%add3A, %dma_start3A_31, %dma_start3A_36, %dma_start3A_37] : memref<32x125x2x80xi32, #tpu.memory_space<hbm>> -> memref<1x1x2x80xi32, #tpu.memory_space<hbm>>
    %dma_start3A_39 = tpu.memref_squeeze %dma_start3A_38 : memref<1x1x2x80xi32, #tpu.memory_space<hbm>> -> memref<2x80xi32, #tpu.memory_space<hbm>>
    tpu.enqueue_dma source(%dma_start3A_39 : memref<2x80xi32, #tpu.memory_space<hbm>>) target(%arg9 : memref<2x80xi32, #tpu.memory_space<vmem>>) target_semaphore(%arg17 : memref<!tpu.dma_semaphore, #tpu.memory_space<semaphore_mem>>)
    %dma_wait3A_40 = arith.constant 0 : i32
    %dma_wait3A_41 = arith.constant 0 : i32
    %dma_wait3A_42 = arith.constant 0 : i32
    %dma_wait3A_43 = arith.constant 0 : i32
    %dma_wait3A_44 = tpu.memref_slice %arg3[%dma_wait3A_40, %dma_wait3A_41, %dma_wait3A_42, %dma_wait3A_43] : memref<32x125x2x80xi32, #tpu.memory_space<hbm>> -> memref<1x1x2x80xi32, #tpu.memory_space<hbm>>
    %dma_wait3A_45 = tpu.memref_squeeze %dma_wait3A_44 : memref<1x1x2x80xi32, #tpu.memory_space<hbm>> -> memref<2x80xi32, #tpu.memory_space<hbm>>
    %dma_wait3A_46 = arith.constant 0 : i32
    %dma_wait3A_47 = arith.constant 0 : i32
    %dma_wait3A_48 = tpu.memref_slice %arg3[%dma_wait3A_40, %dma_wait3A_41, %dma_wait3A_46, %dma_wait3A_47] : memref<32x125x2x80xi32, #tpu.memory_space<hbm>> -> memref<1x1x2x80xi32, #tpu.memory_space<hbm>>
    %dma_wait3A_49 = tpu.memref_squeeze %dma_wait3A_48 : memref<1x1x2x80xi32, #tpu.memory_space<hbm>> -> memref<2x80xi32, #tpu.memory_space<hbm>>
    tpu.wait_dma2 semaphore(%arg16 : memref<!tpu.dma_semaphore, #tpu.memory_space<semaphore_mem>>) src(%dma_wait3A_49 : memref<2x80xi32, #tpu.memory_space<hbm>>) dst(%arg8 : memref<2x80xi32, #tpu.memory_space<vmem>>)
    %dma_start3A_50 = arith.constant 0 : i32
    %dma_start3A_51 = arith.constant 0 : i32
    %dma_start3A_52 = tpu.memref_slice %arg8[%dma_start3A_50, %dma_start3A_51] : memref<2x80xi32, #tpu.memory_space<vmem>> -> memref<1x80xi32, #tpu.memory_space<vmem>>
    %dma_start3A_53 = tpu.memref_squeeze %dma_start3A_52 : memref<1x80xi32, #tpu.memory_space<vmem>> -> memref<80xi32, #tpu.memory_space<vmem>>
    %dma_start3A_54 = arith.constant 0 : i32
    %dma_start3A_55 = arith.constant 0 : i32
    %dma_start3A_56 = tpu.memref_slice %arg2[%dma_start3A_54, %dma_start3A_55] : memref<10000x128xf32, #tpu.memory_space<hbm>> -> memref<10000x128xf32, #tpu.memory_space<hbm>>
    tpu.enqueue_indirect_dma source(%dma_start3A_56 : memref<10000x128xf32, #tpu.memory_space<hbm>>) target(%arg12 : memref<80x128xf32, #tpu.memory_space<vmem>>) offsets(%dma_start3A_53 : memref<80xi32, #tpu.memory_space<vmem>>) semaphore(%arg20 : memref<!tpu.dma_semaphore, #tpu.memory_space<semaphore_mem>>)
    %barrier3A = arith.constant 0 : index
    tpu.barrier barrier_id(%barrier3A)
    %scan3A_57 = arith.constant 0 : i32
    %scan3A_58 = arith.constant 0 : i32
    %scan3A_59 = arith.constant 30 : i32
    %scan3A_60 = arith.addi %scan3A_58, %scan3A_59 : i32
    %scan3A_61 = arith.constant 1 : i32
    scf.for %scan3A_432 = %scan3A_58 to %scan3A_60 step %scan3A_61  : i32 {
      %mul3A_433 = arith.constant 4 : i32
      %mul3A_434 = arith.muli %scan3A_432, %mul3A_433 : i32
      %add3A_435 = arith.constant 0 : i32
      %add3A_436 = arith.addi %mul3A_434, %add3A_435 : i32
      %add3A_437 = arith.constant 2 : i32
      %add3A_438 = arith.addi %add3A_436, %add3A_437 : i32
      %dma_start3A_439 = arith.constant 0 : i32
      %dma_start3A_440 = arith.constant 0 : i32
      %dma_start3A_441 = tpu.memref_slice %arg3[%add3A, %add3A_438, %dma_start3A_439, %dma_start3A_440] : memref<32x125x2x80xi32, #tpu.memory_space<hbm>> -> memref<1x1x2x80xi32, #tpu.memory_space<hbm>>
      %dma_start3A_442 = tpu.memref_squeeze %dma_start3A_441 : memref<1x1x2x80xi32, #tpu.memory_space<hbm>> -> memref<2x80xi32, #tpu.memory_space<hbm>>
      %dma_start3A_443 = arith.constant 0 : i32
      %dma_start3A_444 = arith.constant 0 : i32
      %dma_start3A_445 = tpu.memref_slice %arg3[%add3A, %add3A_438, %dma_start3A_443, %dma_start3A_444] : memref<32x125x2x80xi32, #tpu.memory_space<hbm>> -> memref<1x1x2x80xi32, #tpu.memory_space<hbm>>
      %dma_start3A_446 = tpu.memref_squeeze %dma_start3A_445 : memref<1x1x2x80xi32, #tpu.memory_space<hbm>> -> memref<2x80xi32, #tpu.memory_space<hbm>>
      tpu.enqueue_dma source(%dma_start3A_446 : memref<2x80xi32, #tpu.memory_space<hbm>>) target(%arg10 : memref<2x80xi32, #tpu.memory_space<vmem>>) target_semaphore(%arg18 : memref<!tpu.dma_semaphore, #tpu.memory_space<semaphore_mem>>)
      %dma_wait3A_447 = arith.constant 0 : i32
      %dma_wait3A_448 = arith.constant 0 : i32
      %dma_wait3A_449 = arith.constant 0 : i32
      %dma_wait3A_450 = arith.constant 0 : i32
      %dma_wait3A_451 = tpu.memref_slice %arg3[%dma_wait3A_447, %dma_wait3A_448, %dma_wait3A_449, %dma_wait3A_450] : memref<32x125x2x80xi32, #tpu.memory_space<hbm>> -> memref<1x1x2x80xi32, #tpu.memory_space<hbm>>
      %dma_wait3A_452 = tpu.memref_squeeze %dma_wait3A_451 : memref<1x1x2x80xi32, #tpu.memory_space<hbm>> -> memref<2x80xi32, #tpu.memory_space<hbm>>
      %dma_wait3A_453 = arith.constant 0 : i32
      %dma_wait3A_454 = arith.constant 0 : i32
      %dma_wait3A_455 = tpu.memref_slice %arg3[%dma_wait3A_447, %dma_wait3A_448, %dma_wait3A_453, %dma_wait3A_454] : memref<32x125x2x80xi32, #tpu.memory_space<hbm>> -> memref<1x1x2x80xi32, #tpu.memory_space<hbm>>
      %dma_wait3A_456 = tpu.memref_squeeze %dma_wait3A_455 : memref<1x1x2x80xi32, #tpu.memory_space<hbm>> -> memref<2x80xi32, #tpu.memory_space<hbm>>
      tpu.wait_dma2 semaphore(%arg17 : memref<!tpu.dma_semaphore, #tpu.memory_space<semaphore_mem>>) src(%dma_wait3A_456 : memref<2x80xi32, #tpu.memory_space<hbm>>) dst(%arg9 : memref<2x80xi32, #tpu.memory_space<vmem>>)
      %ge3A = arith.constant 1 : i32
      %ge3A_457 = arith.cmpi sge, %add3A_436, %ge3A : i32
      %convert_element_type3A_458 = arith.extui %ge3A_457 : i1 to i32
      %cond3A_459 = arith.constant 0 : i32
      %cond3A_460 = arith.cmpi ne, %convert_element_type3A_458, %cond3A_459 : i32
      scf.if %cond3A_460 {
        %dma_wait3A_756 = arith.constant 0 : i32
        %dma_wait3A_757 = arith.constant 0 : i32
        %dma_wait3A_758 = tpu.memref_slice %arg4[%dma_wait3A_756, %dma_wait3A_757] : memref<10000x128xf32, #tpu.memory_space<hbm>> -> memref<80x128xf32, #tpu.memory_space<hbm>>
        %dma_wait3A_759 = arith.constant 0 : i32
        %dma_wait3A_760 = arith.constant 0 : i32
        %dma_wait3A_761 = tpu.memref_slice %arg4[%dma_wait3A_759, %dma_wait3A_760] : memref<10000x128xf32, #tpu.memory_space<hbm>> -> memref<80x128xf32, #tpu.memory_space<hbm>>
        tpu.wait_dma2 semaphore(%arg23 : memref<!tpu.dma_semaphore, #tpu.memory_space<semaphore_mem>>) src(%dma_wait3A_761 : memref<80x128xf32, #tpu.memory_space<hbm>>) dst(%arg13 : memref<80x128xf32, #tpu.memory_space<vmem>>)
      } else {
      }
      %add3A_461 = arith.constant 1 : i32
      %add3A_462 = arith.addi %add3A_436, %add3A_461 : i32
      %dma_start3A_463 = arith.constant 0 : i32
      %dma_start3A_464 = arith.constant 0 : i32
      %dma_start3A_465 = tpu.memref_slice %arg9[%dma_start3A_463, %dma_start3A_464] : memref<2x80xi32, #tpu.memory_space<vmem>> -> memref<1x80xi32, #tpu.memory_space<vmem>>
      %dma_start3A_466 = tpu.memref_squeeze %dma_start3A_465 : memref<1x80xi32, #tpu.memory_space<vmem>> -> memref<80xi32, #tpu.memory_space<vmem>>
      %dma_start3A_467 = arith.constant 0 : i32
      %dma_start3A_468 = arith.constant 0 : i32
      %dma_start3A_469 = tpu.memref_slice %arg2[%dma_start3A_467, %dma_start3A_468] : memref<10000x128xf32, #tpu.memory_space<hbm>> -> memref<10000x128xf32, #tpu.memory_space<hbm>>
      tpu.enqueue_indirect_dma source(%dma_start3A_469 : memref<10000x128xf32, #tpu.memory_space<hbm>>) target(%arg13 : memref<80x128xf32, #tpu.memory_space<vmem>>) offsets(%dma_start3A_466 : memref<80xi32, #tpu.memory_space<vmem>>) semaphore(%arg21 : memref<!tpu.dma_semaphore, #tpu.memory_space<semaphore_mem>>)
      %dma_wait3A_470 = arith.constant 0 : i32
      %dma_wait3A_471 = arith.constant 0 : i32
      %dma_wait3A_472 = tpu.memref_slice %arg4[%dma_wait3A_470, %dma_wait3A_471] : memref<10000x128xf32, #tpu.memory_space<hbm>> -> memref<80x128xf32, #tpu.memory_space<hbm>>
      %dma_wait3A_473 = arith.constant 0 : i32
      %dma_wait3A_474 = arith.constant 0 : i32
      %dma_wait3A_475 = tpu.memref_slice %arg4[%dma_wait3A_473, %dma_wait3A_474] : memref<10000x128xf32, #tpu.memory_space<hbm>> -> memref<80x128xf32, #tpu.memory_space<hbm>>
      tpu.wait_dma2 semaphore(%arg20 : memref<!tpu.dma_semaphore, #tpu.memory_space<semaphore_mem>>) src(%dma_wait3A_475 : memref<80x128xf32, #tpu.memory_space<hbm>>) dst(%arg12 : memref<80x128xf32, #tpu.memory_space<vmem>>)
      %dma_start3A_476 = arith.constant 1 : i32
      %dma_start3A_477 = arith.constant 0 : i32
      %dma_start3A_478 = tpu.memref_slice %arg8[%dma_start3A_476, %dma_start3A_477] : memref<2x80xi32, #tpu.memory_space<vmem>> -> memref<1x80xi32, #tpu.memory_space<vmem>>
      %dma_start3A_479 = tpu.memref_squeeze %dma_start3A_478 : memref<1x80xi32, #tpu.memory_space<vmem>> -> memref<80xi32, #tpu.memory_space<vmem>>
      %dma_start3A_480 = arith.constant 0 : i32
      %dma_start3A_481 = arith.constant 0 : i32
      %dma_start3A_482 = tpu.memref_slice %arg15[%dma_start3A_480, %dma_start3A_481] : memref<10000x128xf32, #tpu.memory_space<vmem_shared>> -> memref<10000x128xf32, #tpu.memory_space<vmem_shared>>
      tpu.enqueue_indirect_dma source(%arg12 : memref<80x128xf32, #tpu.memory_space<vmem>>) target(%dma_start3A_482 : memref<10000x128xf32, #tpu.memory_space<vmem_shared>>) offsets(%dma_start3A_479 : memref<80xi32, #tpu.memory_space<vmem>>) semaphore(%arg22 : memref<!tpu.dma_semaphore, #tpu.memory_space<semaphore_mem>>) {add = true}
      %get3A_483 = arith.constant 1 : i32
      %get3A_484 = arith.constant 0 : i32
      %get3A_485 = tpu.memref_slice %arg8[%get3A_483, %get3A_484] : memref<2x80xi32, #tpu.memory_space<vmem>> -> memref<1x80xi32, #tpu.memory_space<vmem>>
      %get3A_486 = tpu.memref_squeeze %get3A_485 : memref<1x80xi32, #tpu.memory_space<vmem>> -> memref<80xi32, #tpu.memory_space<vmem>>
      %get3A_487 = arith.constant 0 : index
      %get3A_488 = tpu.vector_load %get3A_486[%get3A_487] {strides = array<i32>} : memref<80xi32, #tpu.memory_space<vmem>>, vector<16xi32>,
      tpu.vector_store_idx %arg14[%get3A_488], %broadcast_in_dim3A_21 {add = true} : memref<10000xf32, #tpu.memory_space<vmem>>[vector<16xi32>], vector<16xf32>,
      %get3A_489 = arith.constant 1 : i32
      %get3A_490 = arith.constant 0 : i32
      %get3A_491 = tpu.memref_slice %arg8[%get3A_489, %get3A_490] : memref<2x80xi32, #tpu.memory_space<vmem>> -> memref<1x80xi32, #tpu.memory_space<vmem>>
      %get3A_492 = tpu.memref_squeeze %get3A_491 : memref<1x80xi32, #tpu.memory_space<vmem>> -> memref<80xi32, #tpu.memory_space<vmem>>
      %get3A_493 = arith.constant 16 : index
      %get3A_494 = tpu.vector_load %get3A_492[%get3A_493] {strides = array<i32>} : memref<80xi32, #tpu.memory_space<vmem>>, vector<16xi32>,
      tpu.vector_store_idx %arg14[%get3A_494], %broadcast_in_dim3A_21 {add = true} : memref<10000xf32, #tpu.memory_space<vmem>>[vector<16xi32>], vector<16xf32>,
      %get3A_495 = arith.constant 1 : i32
      %get3A_496 = arith.constant 0 : i32
      %get3A_497 = tpu.memref_slice %arg8[%get3A_495, %get3A_496] : memref<2x80xi32, #tpu.memory_space<vmem>> -> memref<1x80xi32, #tpu.memory_space<vmem>>
      %get3A_498 = tpu.memref_squeeze %get3A_497 : memref<1x80xi32, #tpu.memory_space<vmem>> -> memref<80xi32, #tpu.memory_space<vmem>>
      %get3A_499 = arith.constant 32 : index
      %get3A_500 = tpu.vector_load %get3A_498[%get3A_499] {strides = array<i32>} : memref<80xi32, #tpu.memory_space<vmem>>, vector<16xi32>,
      tpu.vector_store_idx %arg14[%get3A_500], %broadcast_in_dim3A_21 {add = true} : memref<10000xf32, #tpu.memory_space<vmem>>[vector<16xi32>], vector<16xf32>,
      %get3A_501 = arith.constant 1 : i32
      %get3A_502 = arith.constant 0 : i32
      %get3A_503 = tpu.memref_slice %arg8[%get3A_501, %get3A_502] : memref<2x80xi32, #tpu.memory_space<vmem>> -> memref<1x80xi32, #tpu.memory_space<vmem>>
      %get3A_504 = tpu.memref_squeeze %get3A_503 : memref<1x80xi32, #tpu.memory_space<vmem>> -> memref<80xi32, #tpu.memory_space<vmem>>
      %get3A_505 = arith.constant 48 : index
      %get3A_506 = tpu.vector_load %get3A_504[%get3A_505] {strides = array<i32>} : memref<80xi32, #tpu.memory_space<vmem>>, vector<16xi32>,
      tpu.vector_store_idx %arg14[%get3A_506], %broadcast_in_dim3A_21 {add = true} : memref<10000xf32, #tpu.memory_space<vmem>>[vector<16xi32>], vector<16xf32>,
      %get3A_507 = arith.constant 1 : i32
      %get3A_508 = arith.constant 0 : i32
      %get3A_509 = tpu.memref_slice %arg8[%get3A_507, %get3A_508] : memref<2x80xi32, #tpu.memory_space<vmem>> -> memref<1x80xi32, #tpu.memory_space<vmem>>
      %get3A_510 = tpu.memref_squeeze %get3A_509 : memref<1x80xi32, #tpu.memory_space<vmem>> -> memref<80xi32, #tpu.memory_space<vmem>>
      %get3A_511 = arith.constant 64 : index
      %get3A_512 = tpu.vector_load %get3A_510[%get3A_511] {strides = array<i32>} : memref<80xi32, #tpu.memory_space<vmem>>, vector<16xi32>,
      tpu.vector_store_idx %arg14[%get3A_512], %broadcast_in_dim3A_21 {add = true} : memref<10000xf32, #tpu.memory_space<vmem>>[vector<16xi32>], vector<16xf32>,
      %mul3A_513 = arith.constant 4 : i32
      %mul3A_514 = arith.muli %scan3A_432, %mul3A_513 : i32
      %add3A_515 = arith.constant 1 : i32
      %add3A_516 = arith.addi %mul3A_514, %add3A_515 : i32
      %add3A_517 = arith.constant 2 : i32
      %add3A_518 = arith.addi %add3A_516, %add3A_517 : i32
      %dma_start3A_519 = arith.constant 0 : i32
      %dma_start3A_520 = arith.constant 0 : i32
      %dma_start3A_521 = tpu.memref_slice %arg3[%add3A, %add3A_518, %dma_start3A_519, %dma_start3A_520] : memref<32x125x2x80xi32, #tpu.memory_space<hbm>> -> memref<1x1x2x80xi32, #tpu.memory_space<hbm>>
      %dma_start3A_522 = tpu.memref_squeeze %dma_start3A_521 : memref<1x1x2x80xi32, #tpu.memory_space<hbm>> -> memref<2x80xi32, #tpu.memory_space<hbm>>
      %dma_start3A_523 = arith.constant 0 : i32
      %dma_start3A_524 = arith.constant 0 : i32
      %dma_start3A_525 = tpu.memref_slice %arg3[%add3A, %add3A_518, %dma_start3A_523, %dma_start3A_524] : memref<32x125x2x80xi32, #tpu.memory_space<hbm>> -> memref<1x1x2x80xi32, #tpu.memory_space<hbm>>
      %dma_start3A_526 = tpu.memref_squeeze %dma_start3A_525 : memref<1x1x2x80xi32, #tpu.memory_space<hbm>> -> memref<2x80xi32, #tpu.memory_space<hbm>>
      tpu.enqueue_dma source(%dma_start3A_526 : memref<2x80xi32, #tpu.memory_space<hbm>>) target(%arg11 : memref<2x80xi32, #tpu.memory_space<vmem>>) target_semaphore(%arg19 : memref<!tpu.dma_semaphore, #tpu.memory_space<semaphore_mem>>)
      %dma_wait3A_527 = arith.constant 0 : i32
      %dma_wait3A_528 = arith.constant 0 : i32
      %dma_wait3A_529 = arith.constant 0 : i32
      %dma_wait3A_530 = arith.constant 0 : i32
      %dma_wait3A_531 = tpu.memref_slice %arg3[%dma_wait3A_527, %dma_wait3A_528, %dma_wait3A_529, %dma_wait3A_530] : memref<32x125x2x80xi32, #tpu.memory_space<hbm>> -> memref<1x1x2x80xi32, #tpu.memory_space<hbm>>
      %dma_wait3A_532 = tpu.memref_squeeze %dma_wait3A_531 : memref<1x1x2x80xi32, #tpu.memory_space<hbm>> -> memref<2x80xi32, #tpu.memory_space<hbm>>
      %dma_wait3A_533 = arith.constant 0 : i32
      %dma_wait3A_534 = arith.constant 0 : i32
      %dma_wait3A_535 = tpu.memref_slice %arg3[%dma_wait3A_527, %dma_wait3A_528, %dma_wait3A_533, %dma_wait3A_534] : memref<32x125x2x80xi32, #tpu.memory_space<hbm>> -> memref<1x1x2x80xi32, #tpu.memory_space<hbm>>
      %dma_wait3A_536 = tpu.memref_squeeze %dma_wait3A_535 : memref<1x1x2x80xi32, #tpu.memory_space<hbm>> -> memref<2x80xi32, #tpu.memory_space<hbm>>
      tpu.wait_dma2 semaphore(%arg18 : memref<!tpu.dma_semaphore, #tpu.memory_space<semaphore_mem>>) src(%dma_wait3A_536 : memref<2x80xi32, #tpu.memory_space<hbm>>) dst(%arg10 : memref<2x80xi32, #tpu.memory_space<vmem>>)
      %ge3A_537 = arith.constant 1 : i32
      %ge3A_538 = arith.cmpi sge, %add3A_516, %ge3A_537 : i32
      %convert_element_type3A_539 = arith.extui %ge3A_538 : i1 to i32
      %cond3A_540 = arith.constant 0 : i32
      %cond3A_541 = arith.cmpi ne, %convert_element_type3A_539, %cond3A_540 : i32
      scf.if %cond3A_541 {
        %dma_wait3A_756 = arith.constant 0 : i32
        %dma_wait3A_757 = arith.constant 0 : i32
        %dma_wait3A_758 = tpu.memref_slice %arg4[%dma_wait3A_756, %dma_wait3A_757] : memref<10000x128xf32, #tpu.memory_space<hbm>> -> memref<80x128xf32, #tpu.memory_space<hbm>>
        %dma_wait3A_759 = arith.constant 0 : i32
        %dma_wait3A_760 = arith.constant 0 : i32
        %dma_wait3A_761 = tpu.memref_slice %arg4[%dma_wait3A_759, %dma_wait3A_760] : memref<10000x128xf32, #tpu.memory_space<hbm>> -> memref<80x128xf32, #tpu.memory_space<hbm>>
        tpu.wait_dma2 semaphore(%arg22 : memref<!tpu.dma_semaphore, #tpu.memory_space<semaphore_mem>>) src(%dma_wait3A_761 : memref<80x128xf32, #tpu.memory_space<hbm>>) dst(%arg12 : memref<80x128xf32, #tpu.memory_space<vmem>>)
      } else {
      }
      %add3A_542 = arith.constant 1 : i32
      %add3A_543 = arith.addi %add3A_516, %add3A_542 : i32
      %dma_start3A_544 = arith.constant 0 : i32
      %dma_start3A_545 = arith.constant 0 : i32
      %dma_start3A_546 = tpu.memref_slice %arg10[%dma_start3A_544, %dma_start3A_545] : memref<2x80xi32, #tpu.memory_space<vmem>> -> memref<1x80xi32, #tpu.memory_space<vmem>>
      %dma_start3A_547 = tpu.memref_squeeze %dma_start3A_546 : memref<1x80xi32, #tpu.memory_space<vmem>> -> memref<80xi32, #tpu.memory_space<vmem>>
      %dma_start3A_548 = arith.constant 0 : i32
      %dma_start3A_549 = arith.constant 0 : i32
      %dma_start3A_550 = tpu.memref_slice %arg2[%dma_start3A_548, %dma_start3A_549] : memref<10000x128xf32, #tpu.memory_space<hbm>> -> memref<10000x128xf32, #tpu.memory_space<hbm>>
      tpu.enqueue_indirect_dma source(%dma_start3A_550 : memref<10000x128xf32, #tpu.memory_space<hbm>>) target(%arg12 : memref<80x128xf32, #tpu.memory_space<vmem>>) offsets(%dma_start3A_547 : memref<80xi32, #tpu.memory_space<vmem>>) semaphore(%arg20 : memref<!tpu.dma_semaphore, #tpu.memory_space<semaphore_mem>>)
      %dma_wait3A_551 = arith.constant 0 : i32
      %dma_wait3A_552 = arith.constant 0 : i32
      %dma_wait3A_553 = tpu.memref_slice %arg4[%dma_wait3A_551, %dma_wait3A_552] : memref<10000x128xf32, #tpu.memory_space<hbm>> -> memref<80x128xf32, #tpu.memory_space<hbm>>
      %dma_wait3A_554 = arith.constant 0 : i32
      %dma_wait3A_555 = arith.constant 0 : i32
      %dma_wait3A_556 = tpu.memref_slice %arg4[%dma_wait3A_554, %dma_wait3A_555] : memref<10000x128xf32, #tpu.memory_space<hbm>> -> memref<80x128xf32, #tpu.memory_space<hbm>>
      tpu.wait_dma2 semaphore(%arg21 : memref<!tpu.dma_semaphore, #tpu.memory_space<semaphore_mem>>) src(%dma_wait3A_556 : memref<80x128xf32, #tpu.memory_space<hbm>>) dst(%arg13 : memref<80x128xf32, #tpu.memory_space<vmem>>)
      %dma_start3A_557 = arith.constant 1 : i32
      %dma_start3A_558 = arith.constant 0 : i32
      %dma_start3A_559 = tpu.memref_slice %arg9[%dma_start3A_557, %dma_start3A_558] : memref<2x80xi32, #tpu.memory_space<vmem>> -> memref<1x80xi32, #tpu.memory_space<vmem>>
      %dma_start3A_560 = tpu.memref_squeeze %dma_start3A_559 : memref<1x80xi32, #tpu.memory_space<vmem>> -> memref<80xi32, #tpu.memory_space<vmem>>
      %dma_start3A_561 = arith.constant 0 : i32
      %dma_start3A_562 = arith.constant 0 : i32
      %dma_start3A_563 = tpu.memref_slice %arg15[%dma_start3A_561, %dma_start3A_562] : memref<10000x128xf32, #tpu.memory_space<vmem_shared>> -> memref<10000x128xf32, #tpu.memory_space<vmem_shared>>
      tpu.enqueue_indirect_dma source(%arg13 : memref<80x128xf32, #tpu.memory_space<vmem>>) target(%dma_start3A_563 : memref<10000x128xf32, #tpu.memory_space<vmem_shared>>) offsets(%dma_start3A_560 : memref<80xi32, #tpu.memory_space<vmem>>) semaphore(%arg23 : memref<!tpu.dma_semaphore, #tpu.memory_space<semaphore_mem>>) {add = true}
      %get3A_564 = arith.constant 1 : i32
      %get3A_565 = arith.constant 0 : i32
      %get3A_566 = tpu.memref_slice %arg9[%get3A_564, %get3A_565] : memref<2x80xi32, #tpu.memory_space<vmem>> -> memref<1x80xi32, #tpu.memory_space<vmem>>
      %get3A_567 = tpu.memref_squeeze %get3A_566 : memref<1x80xi32, #tpu.memory_space<vmem>> -> memref<80xi32, #tpu.memory_space<vmem>>
      %get3A_568 = arith.constant 0 : index
      %get3A_569 = tpu.vector_load %get3A_567[%get3A_568] {strides = array<i32>} : memref<80xi32, #tpu.memory_space<vmem>>, vector<16xi32>,
      tpu.vector_store_idx %arg14[%get3A_569], %broadcast_in_dim3A_21 {add = true} : memref<10000xf32, #tpu.memory_space<vmem>>[vector<16xi32>], vector<16xf32>,
      %get3A_570 = arith.constant 1 : i32
      %get3A_571 = arith.constant 0 : i32
      %get3A_572 = tpu.memref_slice %arg9[%get3A_570, %get3A_571] : memref<2x80xi32, #tpu.memory_space<vmem>> -> memref<1x80xi32, #tpu.memory_space<vmem>>
      %get3A_573 = tpu.memref_squeeze %get3A_572 : memref<1x80xi32, #tpu.memory_space<vmem>> -> memref<80xi32, #tpu.memory_space<vmem>>
      %get3A_574 = arith.constant 16 : index
      %get3A_575 = tpu.vector_load %get3A_573[%get3A_574] {strides = array<i32>} : memref<80xi32, #tpu.memory_space<vmem>>, vector<16xi32>,
      tpu.vector_store_idx %arg14[%get3A_575], %broadcast_in_dim3A_21 {add = true} : memref<10000xf32, #tpu.memory_space<vmem>>[vector<16xi32>], vector<16xf32>,
      %get3A_576 = arith.constant 1 : i32
      %get3A_577 = arith.constant 0 : i32
      %get3A_578 = tpu.memref_slice %arg9[%get3A_576, %get3A_577] : memref<2x80xi32, #tpu.memory_space<vmem>> -> memref<1x80xi32, #tpu.memory_space<vmem>>
      %get3A_579 = tpu.memref_squeeze %get3A_578 : memref<1x80xi32, #tpu.memory_space<vmem>> -> memref<80xi32, #tpu.memory_space<vmem>>
      %get3A_580 = arith.constant 32 : index
      %get3A_581 = tpu.vector_load %get3A_579[%get3A_580] {strides = array<i32>} : memref<80xi32, #tpu.memory_space<vmem>>, vector<16xi32>,
      tpu.vector_store_idx %arg14[%get3A_581], %broadcast_in_dim3A_21 {add = true} : memref<10000xf32, #tpu.memory_space<vmem>>[vector<16xi32>], vector<16xf32>,
      %get3A_582 = arith.constant 1 : i32
      %get3A_583 = arith.constant 0 : i32
      %get3A_584 = tpu.memref_slice %arg9[%get3A_582, %get3A_583] : memref<2x80xi32, #tpu.memory_space<vmem>> -> memref<1x80xi32, #tpu.memory_space<vmem>>
      %get3A_585 = tpu.memref_squeeze %get3A_584 : memref<1x80xi32, #tpu.memory_space<vmem>> -> memref<80xi32, #tpu.memory_space<vmem>>
      %get3A_586 = arith.constant 48 : index
      %get3A_587 = tpu.vector_load %get3A_585[%get3A_586] {strides = array<i32>} : memref<80xi32, #tpu.memory_space<vmem>>, vector<16xi32>,
      tpu.vector_store_idx %arg14[%get3A_587], %broadcast_in_dim3A_21 {add = true} : memref<10000xf32, #tpu.memory_space<vmem>>[vector<16xi32>], vector<16xf32>,
      %get3A_588 = arith.constant 1 : i32
      %get3A_589 = arith.constant 0 : i32
      %get3A_590 = tpu.memref_slice %arg9[%get3A_588, %get3A_589] : memref<2x80xi32, #tpu.memory_space<vmem>> -> memref<1x80xi32, #tpu.memory_space<vmem>>
      %get3A_591 = tpu.memref_squeeze %get3A_590 : memref<1x80xi32, #tpu.memory_space<vmem>> -> memref<80xi32, #tpu.memory_space<vmem>>
      %get3A_592 = arith.constant 64 : index
      %get3A_593 = tpu.vector_load %get3A_591[%get3A_592] {strides = array<i32>} : memref<80xi32, #tpu.memory_space<vmem>>, vector<16xi32>,
      tpu.vector_store_idx %arg14[%get3A_593], %broadcast_in_dim3A_21 {add = true} : memref<10000xf32, #tpu.memory_space<vmem>>[vector<16xi32>], vector<16xf32>,
      %mul3A_594 = arith.constant 4 : i32
      %mul3A_595 = arith.muli %scan3A_432, %mul3A_594 : i32
      %add3A_596 = arith.constant 2 : i32
      %add3A_597 = arith.addi %mul3A_595, %add3A_596 : i32
      %add3A_598 = arith.constant 2 : i32
      %add3A_599 = arith.addi %add3A_597, %add3A_598 : i32
      %dma_start3A_600 = arith.constant 0 : i32
      %dma_start3A_601 = arith.constant 0 : i32
      %dma_start3A_602 = tpu.memref_slice %arg3[%add3A, %add3A_599, %dma_start3A_600, %dma_start3A_601] : memref<32x125x2x80xi32, #tpu.memory_space<hbm>> -> memref<1x1x2x80xi32, #tpu.memory_space<hbm>>
      %dma_start3A_603 = tpu.memref_squeeze %dma_start3A_602 : memref<1x1x2x80xi32, #tpu.memory_space<hbm>> -> memref<2x80xi32, #tpu.memory_space<hbm>>
      %dma_start3A_604 = arith.constant 0 : i32
      %dma_start3A_605 = arith.constant 0 : i32
      %dma_start3A_606 = tpu.memref_slice %arg3[%add3A, %add3A_599, %dma_start3A_604, %dma_start3A_605] : memref<32x125x2x80xi32, #tpu.memory_space<hbm>> -> memref<1x1x2x80xi32, #tpu.memory_space<hbm>>
      %dma_start3A_607 = tpu.memref_squeeze %dma_start3A_606 : memref<1x1x2x80xi32, #tpu.memory_space<hbm>> -> memref<2x80xi32, #tpu.memory_space<hbm>>
      tpu.enqueue_dma source(%dma_start3A_607 : memref<2x80xi32, #tpu.memory_space<hbm>>) target(%arg8 : memref<2x80xi32, #tpu.memory_space<vmem>>) target_semaphore(%arg16 : memref<!tpu.dma_semaphore, #tpu.memory_space<semaphore_mem>>)
      %dma_wait3A_608 = arith.constant 0 : i32
      %dma_wait3A_609 = arith.constant 0 : i32
      %dma_wait3A_610 = arith.constant 0 : i32
      %dma_wait3A_611 = arith.constant 0 : i32
      %dma_wait3A_612 = tpu.memref_slice %arg3[%dma_wait3A_608, %dma_wait3A_609, %dma_wait3A_610, %dma_wait3A_611] : memref<32x125x2x80xi32, #tpu.memory_space<hbm>> -> memref<1x1x2x80xi32, #tpu.memory_space<hbm>>
      %dma_wait3A_613 = tpu.memref_squeeze %dma_wait3A_612 : memref<1x1x2x80xi32, #tpu.memory_space<hbm>> -> memref<2x80xi32, #tpu.memory_space<hbm>>
      %dma_wait3A_614 = arith.constant 0 : i32
      %dma_wait3A_615 = arith.constant 0 : i32
      %dma_wait3A_616 = tpu.memref_slice %arg3[%dma_wait3A_608, %dma_wait3A_609, %dma_wait3A_614, %dma_wait3A_615] : memref<32x125x2x80xi32, #tpu.memory_space<hbm>> -> memref<1x1x2x80xi32, #tpu.memory_space<hbm>>
      %dma_wait3A_617 = tpu.memref_squeeze %dma_wait3A_616 : memref<1x1x2x80xi32, #tpu.memory_space<hbm>> -> memref<2x80xi32, #tpu.memory_space<hbm>>
      tpu.wait_dma2 semaphore(%arg19 : memref<!tpu.dma_semaphore, #tpu.memory_space<semaphore_mem>>) src(%dma_wait3A_617 : memref<2x80xi32, #tpu.memory_space<hbm>>) dst(%arg11 : memref<2x80xi32, #tpu.memory_space<vmem>>)
      %ge3A_618 = arith.constant 1 : i32
      %ge3A_619 = arith.cmpi sge, %add3A_597, %ge3A_618 : i32
      %convert_element_type3A_620 = arith.extui %ge3A_619 : i1 to i32
      %cond3A_621 = arith.constant 0 : i32
      %cond3A_622 = arith.cmpi ne, %convert_element_type3A_620, %cond3A_621 : i32
      scf.if %cond3A_622 {
        %dma_wait3A_756 = arith.constant 0 : i32
        %dma_wait3A_757 = arith.constant 0 : i32
        %dma_wait3A_758 = tpu.memref_slice %arg4[%dma_wait3A_756, %dma_wait3A_757] : memref<10000x128xf32, #tpu.memory_space<hbm>> -> memref<80x128xf32, #tpu.memory_space<hbm>>
        %dma_wait3A_759 = arith.constant 0 : i32
        %dma_wait3A_760 = arith.constant 0 : i32
        %dma_wait3A_761 = tpu.memref_slice %arg4[%dma_wait3A_759, %dma_wait3A_760] : memref<10000x128xf32, #tpu.memory_space<hbm>> -> memref<80x128xf32, #tpu.memory_space<hbm>>
        tpu.wait_dma2 semaphore(%arg23 : memref<!tpu.dma_semaphore, #tpu.memory_space<semaphore_mem>>) src(%dma_wait3A_761 : memref<80x128xf32, #tpu.memory_space<hbm>>) dst(%arg13 : memref<80x128xf32, #tpu.memory_space<vmem>>)
      } else {
      }
      %add3A_623 = arith.constant 1 : i32
      %add3A_624 = arith.addi %add3A_597, %add3A_623 : i32
      %dma_start3A_625 = arith.constant 0 : i32
      %dma_start3A_626 = arith.constant 0 : i32
      %dma_start3A_627 = tpu.memref_slice %arg11[%dma_start3A_625, %dma_start3A_626] : memref<2x80xi32, #tpu.memory_space<vmem>> -> memref<1x80xi32, #tpu.memory_space<vmem>>
      %dma_start3A_628 = tpu.memref_squeeze %dma_start3A_627 : memref<1x80xi32, #tpu.memory_space<vmem>> -> memref<80xi32, #tpu.memory_space<vmem>>
      %dma_start3A_629 = arith.constant 0 : i32
      %dma_start3A_630 = arith.constant 0 : i32
      %dma_start3A_631 = tpu.memref_slice %arg2[%dma_start3A_629, %dma_start3A_630] : memref<10000x128xf32, #tpu.memory_space<hbm>> -> memref<10000x128xf32, #tpu.memory_space<hbm>>
      tpu.enqueue_indirect_dma source(%dma_start3A_631 : memref<10000x128xf32, #tpu.memory_space<hbm>>) target(%arg13 : memref<80x128xf32, #tpu.memory_space<vmem>>) offsets(%dma_start3A_628 : memref<80xi32, #tpu.memory_space<vmem>>) semaphore(%arg21 : memref<!tpu.dma_semaphore, #tpu.memory_space<semaphore_mem>>)
      %dma_wait3A_632 = arith.constant 0 : i32
      %dma_wait3A_633 = arith.constant 0 : i32
      %dma_wait3A_634 = tpu.memref_slice %arg4[%dma_wait3A_632, %dma_wait3A_633] : memref<10000x128xf32, #tpu.memory_space<hbm>> -> memref<80x128xf32, #tpu.memory_space<hbm>>
      %dma_wait3A_635 = arith.constant 0 : i32
      %dma_wait3A_636 = arith.constant 0 : i32
      %dma_wait3A_637 = tpu.memref_slice %arg4[%dma_wait3A_635, %dma_wait3A_636] : memref<10000x128xf32, #tpu.memory_space<hbm>> -> memref<80x128xf32, #tpu.memory_space<hbm>>
      tpu.wait_dma2 semaphore(%arg20 : memref<!tpu.dma_semaphore, #tpu.memory_space<semaphore_mem>>) src(%dma_wait3A_637 : memref<80x128xf32, #tpu.memory_space<hbm>>) dst(%arg12 : memref<80x128xf32, #tpu.memory_space<vmem>>)
      %dma_start3A_638 = arith.constant 1 : i32
      %dma_start3A_639 = arith.constant 0 : i32
      %dma_start3A_640 = tpu.memref_slice %arg10[%dma_start3A_638, %dma_start3A_639] : memref<2x80xi32, #tpu.memory_space<vmem>> -> memref<1x80xi32, #tpu.memory_space<vmem>>
      %dma_start3A_641 = tpu.memref_squeeze %dma_start3A_640 : memref<1x80xi32, #tpu.memory_space<vmem>> -> memref<80xi32, #tpu.memory_space<vmem>>
      %dma_start3A_642 = arith.constant 0 : i32
      %dma_start3A_643 = arith.constant 0 : i32
      %dma_start3A_644 = tpu.memref_slice %arg15[%dma_start3A_642, %dma_start3A_643] : memref<10000x128xf32, #tpu.memory_space<vmem_shared>> -> memref<10000x128xf32, #tpu.memory_space<vmem_shared>>
      tpu.enqueue_indirect_dma source(%arg12 : memref<80x128xf32, #tpu.memory_space<vmem>>) target(%dma_start3A_644 : memref<10000x128xf32, #tpu.memory_space<vmem_shared>>) offsets(%dma_start3A_641 : memref<80xi32, #tpu.memory_space<vmem>>) semaphore(%arg22 : memref<!tpu.dma_semaphore, #tpu.memory_space<semaphore_mem>>) {add = true}
      %get3A_645 = arith.constant 1 : i32
      %get3A_646 = arith.constant 0 : i32
      %get3A_647 = tpu.memref_slice %arg10[%get3A_645, %get3A_646] : memref<2x80xi32, #tpu.memory_space<vmem>> -> memref<1x80xi32, #tpu.memory_space<vmem>>
      %get3A_648 = tpu.memref_squeeze %get3A_647 : memref<1x80xi32, #tpu.memory_space<vmem>> -> memref<80xi32, #tpu.memory_space<vmem>>
      %get3A_649 = arith.constant 0 : index
      %get3A_650 = tpu.vector_load %get3A_648[%get3A_649] {strides = array<i32>} : memref<80xi32, #tpu.memory_space<vmem>>, vector<16xi32>,
      tpu.vector_store_idx %arg14[%get3A_650], %broadcast_in_dim3A_21 {add = true} : memref<10000xf32, #tpu.memory_space<vmem>>[vector<16xi32>], vector<16xf32>,
      %get3A_651 = arith.constant 1 : i32
      %get3A_652 = arith.constant 0 : i32
      %get3A_653 = tpu.memref_slice %arg10[%get3A_651, %get3A_652] : memref<2x80xi32, #tpu.memory_space<vmem>> -> memref<1x80xi32, #tpu.memory_space<vmem>>
      %get3A_654 = tpu.memref_squeeze %get3A_653 : memref<1x80xi32, #tpu.memory_space<vmem>> -> memref<80xi32, #tpu.memory_space<vmem>>
      %get3A_655 = arith.constant 16 : index
      %get3A_656 = tpu.vector_load %get3A_654[%get3A_655] {strides = array<i32>} : memref<80xi32, #tpu.memory_space<vmem>>, vector<16xi32>,
      tpu.vector_store_idx %arg14[%get3A_656], %broadcast_in_dim3A_21 {add = true} : memref<10000xf32, #tpu.memory_space<vmem>>[vector<16xi32>], vector<16xf32>,
      %get3A_657 = arith.constant 1 : i32
      %get3A_658 = arith.constant 0 : i32
      %get3A_659 = tpu.memref_slice %arg10[%get3A_657, %get3A_658] : memref<2x80xi32, #tpu.memory_space<vmem>> -> memref<1x80xi32, #tpu.memory_space<vmem>>
      %get3A_660 = tpu.memref_squeeze %get3A_659 : memref<1x80xi32, #tpu.memory_space<vmem>> -> memref<80xi32, #tpu.memory_space<vmem>>
      %get3A_661 = arith.constant 32 : index
      %get3A_662 = tpu.vector_load %get3A_660[%get3A_661] {strides = array<i32>} : memref<80xi32, #tpu.memory_space<vmem>>, vector<16xi32>,
      tpu.vector_store_idx %arg14[%get3A_662], %broadcast_in_dim3A_21 {add = true} : memref<10000xf32, #tpu.memory_space<vmem>>[vector<16xi32>], vector<16xf32>,
      %get3A_663 = arith.constant 1 : i32
      %get3A_664 = arith.constant 0 : i32
      %get3A_665 = tpu.memref_slice %arg10[%get3A_663, %get3A_664] : memref<2x80xi32, #tpu.memory_space<vmem>> -> memref<1x80xi32, #tpu.memory_space<vmem>>
      %get3A_666 = tpu.memref_squeeze %get3A_665 : memref<1x80xi32, #tpu.memory_space<vmem>> -> memref<80xi32, #tpu.memory_space<vmem>>
      %get3A_667 = arith.constant 48 : index
      %get3A_668 = tpu.vector_load %get3A_666[%get3A_667] {strides = array<i32>} : memref<80xi32, #tpu.memory_space<vmem>>, vector<16xi32>,
      tpu.vector_store_idx %arg14[%get3A_668], %broadcast_in_dim3A_21 {add = true} : memref<10000xf32, #tpu.memory_space<vmem>>[vector<16xi32>], vector<16xf32>,
      %get3A_669 = arith.constant 1 : i32
      %get3A_670 = arith.constant 0 : i32
      %get3A_671 = tpu.memref_slice %arg10[%get3A_669, %get3A_670] : memref<2x80xi32, #tpu.memory_space<vmem>> -> memref<1x80xi32, #tpu.memory_space<vmem>>
      %get3A_672 = tpu.memref_squeeze %get3A_671 : memref<1x80xi32, #tpu.memory_space<vmem>> -> memref<80xi32, #tpu.memory_space<vmem>>
      %get3A_673 = arith.constant 64 : index
      %get3A_674 = tpu.vector_load %get3A_672[%get3A_673] {strides = array<i32>} : memref<80xi32, #tpu.memory_space<vmem>>, vector<16xi32>,
      tpu.vector_store_idx %arg14[%get3A_674], %broadcast_in_dim3A_21 {add = true} : memref<10000xf32, #tpu.memory_space<vmem>>[vector<16xi32>], vector<16xf32>,
      %mul3A_675 = arith.constant 4 : i32
      %mul3A_676 = arith.muli %scan3A_432, %mul3A_675 : i32
      %add3A_677 = arith.constant 3 : i32
      %add3A_678 = arith.addi %mul3A_676, %add3A_677 : i32
      %add3A_679 = arith.constant 2 : i32
      %add3A_680 = arith.addi %add3A_678, %add3A_679 : i32
      %dma_start3A_681 = arith.constant 0 : i32
      %dma_start3A_682 = arith.constant 0 : i32
      %dma_start3A_683 = tpu.memref_slice %arg3[%add3A, %add3A_680, %dma_start3A_681, %dma_start3A_682] : memref<32x125x2x80xi32, #tpu.memory_space<hbm>> -> memref<1x1x2x80xi32, #tpu.memory_space<hbm>>
      %dma_start3A_684 = tpu.memref_squeeze %dma_start3A_683 : memref<1x1x2x80xi32, #tpu.memory_space<hbm>> -> memref<2x80xi32, #tpu.memory_space<hbm>>
      %dma_start3A_685 = arith.constant 0 : i32
      %dma_start3A_686 = arith.constant 0 : i32
      %dma_start3A_687 = tpu.memref_slice %arg3[%add3A, %add3A_680, %dma_start3A_685, %dma_start3A_686] : memref<32x125x2x80xi32, #tpu.memory_space<hbm>> -> memref<1x1x2x80xi32, #tpu.memory_space<hbm>>
      %dma_start3A_688 = tpu.memref_squeeze %dma_start3A_687 : memref<1x1x2x80xi32, #tpu.memory_space<hbm>> -> memref<2x80xi32, #tpu.memory_space<hbm>>
      tpu.enqueue_dma source(%dma_start3A_688 : memref<2x80xi32, #tpu.memory_space<hbm>>) target(%arg9 : memref<2x80xi32, #tpu.memory_space<vmem>>) target_semaphore(%arg17 : memref<!tpu.dma_semaphore, #tpu.memory_space<semaphore_mem>>)
      %dma_wait3A_689 = arith.constant 0 : i32
      %dma_wait3A_690 = arith.constant 0 : i32
      %dma_wait3A_691 = arith.constant 0 : i32
      %dma_wait3A_692 = arith.constant 0 : i32
      %dma_wait3A_693 = tpu.memref_slice %arg3[%dma_wait3A_689, %dma_wait3A_690, %dma_wait3A_691, %dma_wait3A_692] : memref<32x125x2x80xi32, #tpu.memory_space<hbm>> -> memref<1x1x2x80xi32, #tpu.memory_space<hbm>>
      %dma_wait3A_694 = tpu.memref_squeeze %dma_wait3A_693 : memref<1x1x2x80xi32, #tpu.memory_space<hbm>> -> memref<2x80xi32, #tpu.memory_space<hbm>>
      %dma_wait3A_695 = arith.constant 0 : i32
      %dma_wait3A_696 = arith.constant 0 : i32
      %dma_wait3A_697 = tpu.memref_slice %arg3[%dma_wait3A_689, %dma_wait3A_690, %dma_wait3A_695, %dma_wait3A_696] : memref<32x125x2x80xi32, #tpu.memory_space<hbm>> -> memref<1x1x2x80xi32, #tpu.memory_space<hbm>>
      %dma_wait3A_698 = tpu.memref_squeeze %dma_wait3A_697 : memref<1x1x2x80xi32, #tpu.memory_space<hbm>> -> memref<2x80xi32, #tpu.memory_space<hbm>>
      tpu.wait_dma2 semaphore(%arg16 : memref<!tpu.dma_semaphore, #tpu.memory_space<semaphore_mem>>) src(%dma_wait3A_698 : memref<2x80xi32, #tpu.memory_space<hbm>>) dst(%arg8 : memref<2x80xi32, #tpu.memory_space<vmem>>)
      %ge3A_699 = arith.constant 1 : i32
      %ge3A_700 = arith.cmpi sge, %add3A_678, %ge3A_699 : i32
      %convert_element_type3A_701 = arith.extui %ge3A_700 : i1 to i32
      %cond3A_702 = arith.constant 0 : i32
      %cond3A_703 = arith.cmpi ne, %convert_element_type3A_701, %cond3A_702 : i32
      scf.if %cond3A_703 {
        %dma_wait3A_756 = arith.constant 0 : i32
        %dma_wait3A_757 = arith.constant 0 : i32
        %dma_wait3A_758 = tpu.memref_slice %arg4[%dma_wait3A_756, %dma_wait3A_757] : memref<10000x128xf32, #tpu.memory_space<hbm>> -> memref<80x128xf32, #tpu.memory_space<hbm>>
        %dma_wait3A_759 = arith.constant 0 : i32
        %dma_wait3A_760 = arith.constant 0 : i32
        %dma_wait3A_761 = tpu.memref_slice %arg4[%dma_wait3A_759, %dma_wait3A_760] : memref<10000x128xf32, #tpu.memory_space<hbm>> -> memref<80x128xf32, #tpu.memory_space<hbm>>
        tpu.wait_dma2 semaphore(%arg22 : memref<!tpu.dma_semaphore, #tpu.memory_space<semaphore_mem>>) src(%dma_wait3A_761 : memref<80x128xf32, #tpu.memory_space<hbm>>) dst(%arg12 : memref<80x128xf32, #tpu.memory_space<vmem>>)
      } else {
      }
      %add3A_704 = arith.constant 1 : i32
      %add3A_705 = arith.addi %add3A_678, %add3A_704 : i32
      %dma_start3A_706 = arith.constant 0 : i32
      %dma_start3A_707 = arith.constant 0 : i32
      %dma_start3A_708 = tpu.memref_slice %arg8[%dma_start3A_706, %dma_start3A_707] : memref<2x80xi32, #tpu.memory_space<vmem>> -> memref<1x80xi32, #tpu.memory_space<vmem>>
      %dma_start3A_709 = tpu.memref_squeeze %dma_start3A_708 : memref<1x80xi32, #tpu.memory_space<vmem>> -> memref<80xi32, #tpu.memory_space<vmem>>
      %dma_start3A_710 = arith.constant 0 : i32
      %dma_start3A_711 = arith.constant 0 : i32
      %dma_start3A_712 = tpu.memref_slice %arg2[%dma_start3A_710, %dma_start3A_711] : memref<10000x128xf32, #tpu.memory_space<hbm>> -> memref<10000x128xf32, #tpu.memory_space<hbm>>
      tpu.enqueue_indirect_dma source(%dma_start3A_712 : memref<10000x128xf32, #tpu.memory_space<hbm>>) target(%arg12 : memref<80x128xf32, #tpu.memory_space<vmem>>) offsets(%dma_start3A_709 : memref<80xi32, #tpu.memory_space<vmem>>) semaphore(%arg20 : memref<!tpu.dma_semaphore, #tpu.memory_space<semaphore_mem>>)
      %dma_wait3A_713 = arith.constant 0 : i32
      %dma_wait3A_714 = arith.constant 0 : i32
      %dma_wait3A_715 = tpu.memref_slice %arg4[%dma_wait3A_713, %dma_wait3A_714] : memref<10000x128xf32, #tpu.memory_space<hbm>> -> memref<80x128xf32, #tpu.memory_space<hbm>>
      %dma_wait3A_716 = arith.constant 0 : i32
      %dma_wait3A_717 = arith.constant 0 : i32
      %dma_wait3A_718 = tpu.memref_slice %arg4[%dma_wait3A_716, %dma_wait3A_717] : memref<10000x128xf32, #tpu.memory_space<hbm>> -> memref<80x128xf32, #tpu.memory_space<hbm>>
      tpu.wait_dma2 semaphore(%arg21 : memref<!tpu.dma_semaphore, #tpu.memory_space<semaphore_mem>>) src(%dma_wait3A_718 : memref<80x128xf32, #tpu.memory_space<hbm>>) dst(%arg13 : memref<80x128xf32, #tpu.memory_space<vmem>>)
      %dma_start3A_719 = arith.constant 1 : i32
      %dma_start3A_720 = arith.constant 0 : i32
      %dma_start3A_721 = tpu.memref_slice %arg11[%dma_start3A_719, %dma_start3A_720] : memref<2x80xi32, #tpu.memory_space<vmem>> -> memref<1x80xi32, #tpu.memory_space<vmem>>
      %dma_start3A_722 = tpu.memref_squeeze %dma_start3A_721 : memref<1x80xi32, #tpu.memory_space<vmem>> -> memref<80xi32, #tpu.memory_space<vmem>>
      %dma_start3A_723 = arith.constant 0 : i32
      %dma_start3A_724 = arith.constant 0 : i32
      %dma_start3A_725 = tpu.memref_slice %arg15[%dma_start3A_723, %dma_start3A_724] : memref<10000x128xf32, #tpu.memory_space<vmem_shared>> -> memref<10000x128xf32, #tpu.memory_space<vmem_shared>>
      tpu.enqueue_indirect_dma source(%arg13 : memref<80x128xf32, #tpu.memory_space<vmem>>) target(%dma_start3A_725 : memref<10000x128xf32, #tpu.memory_space<vmem_shared>>) offsets(%dma_start3A_722 : memref<80xi32, #tpu.memory_space<vmem>>) semaphore(%arg23 : memref<!tpu.dma_semaphore, #tpu.memory_space<semaphore_mem>>) {add = true}
      %get3A_726 = arith.constant 1 : i32
      %get3A_727 = arith.constant 0 : i32
      %get3A_728 = tpu.memref_slice %arg11[%get3A_726, %get3A_727] : memref<2x80xi32, #tpu.memory_space<vmem>> -> memref<1x80xi32, #tpu.memory_space<vmem>>
      %get3A_729 = tpu.memref_squeeze %get3A_728 : memref<1x80xi32, #tpu.memory_space<vmem>> -> memref<80xi32, #tpu.memory_space<vmem>>
      %get3A_730 = arith.constant 0 : index
      %get3A_731 = tpu.vector_load %get3A_729[%get3A_730] {strides = array<i32>} : memref<80xi32, #tpu.memory_space<vmem>>, vector<16xi32>,
      tpu.vector_store_idx %arg14[%get3A_731], %broadcast_in_dim3A_21 {add = true} : memref<10000xf32, #tpu.memory_space<vmem>>[vector<16xi32>], vector<16xf32>,
      %get3A_732 = arith.constant 1 : i32
      %get3A_733 = arith.constant 0 : i32
      %get3A_734 = tpu.memref_slice %arg11[%get3A_732, %get3A_733] : memref<2x80xi32, #tpu.memory_space<vmem>> -> memref<1x80xi32, #tpu.memory_space<vmem>>
      %get3A_735 = tpu.memref_squeeze %get3A_734 : memref<1x80xi32, #tpu.memory_space<vmem>> -> memref<80xi32, #tpu.memory_space<vmem>>
      %get3A_736 = arith.constant 16 : index
      %get3A_737 = tpu.vector_load %get3A_735[%get3A_736] {strides = array<i32>} : memref<80xi32, #tpu.memory_space<vmem>>, vector<16xi32>,
      tpu.vector_store_idx %arg14[%get3A_737], %broadcast_in_dim3A_21 {add = true} : memref<10000xf32, #tpu.memory_space<vmem>>[vector<16xi32>], vector<16xf32>,
      %get3A_738 = arith.constant 1 : i32
      %get3A_739 = arith.constant 0 : i32
      %get3A_740 = tpu.memref_slice %arg11[%get3A_738, %get3A_739] : memref<2x80xi32, #tpu.memory_space<vmem>> -> memref<1x80xi32, #tpu.memory_space<vmem>>
      %get3A_741 = tpu.memref_squeeze %get3A_740 : memref<1x80xi32, #tpu.memory_space<vmem>> -> memref<80xi32, #tpu.memory_space<vmem>>
      %get3A_742 = arith.constant 32 : index
      %get3A_743 = tpu.vector_load %get3A_741[%get3A_742] {strides = array<i32>} : memref<80xi32, #tpu.memory_space<vmem>>, vector<16xi32>,
      tpu.vector_store_idx %arg14[%get3A_743], %broadcast_in_dim3A_21 {add = true} : memref<10000xf32, #tpu.memory_space<vmem>>[vector<16xi32>], vector<16xf32>,
      %get3A_744 = arith.constant 1 : i32
      %get3A_745 = arith.constant 0 : i32
      %get3A_746 = tpu.memref_slice %arg11[%get3A_744, %get3A_745] : memref<2x80xi32, #tpu.memory_space<vmem>> -> memref<1x80xi32, #tpu.memory_space<vmem>>
      %get3A_747 = tpu.memref_squeeze %get3A_746 : memref<1x80xi32, #tpu.memory_space<vmem>> -> memref<80xi32, #tpu.memory_space<vmem>>
      %get3A_748 = arith.constant 48 : index
      %get3A_749 = tpu.vector_load %get3A_747[%get3A_748] {strides = array<i32>} : memref<80xi32, #tpu.memory_space<vmem>>, vector<16xi32>,
      tpu.vector_store_idx %arg14[%get3A_749], %broadcast_in_dim3A_21 {add = true} : memref<10000xf32, #tpu.memory_space<vmem>>[vector<16xi32>], vector<16xf32>,
      %get3A_750 = arith.constant 1 : i32
      %get3A_751 = arith.constant 0 : i32
      %get3A_752 = tpu.memref_slice %arg11[%get3A_750, %get3A_751] : memref<2x80xi32, #tpu.memory_space<vmem>> -> memref<1x80xi32, #tpu.memory_space<vmem>>
      %get3A_753 = tpu.memref_squeeze %get3A_752 : memref<1x80xi32, #tpu.memory_space<vmem>> -> memref<80xi32, #tpu.memory_space<vmem>>
      %get3A_754 = arith.constant 64 : index
      %get3A_755 = tpu.vector_load %get3A_753[%get3A_754] {strides = array<i32>} : memref<80xi32, #tpu.memory_space<vmem>>, vector<16xi32>,
      tpu.vector_store_idx %arg14[%get3A_755], %broadcast_in_dim3A_21 {add = true} : memref<10000xf32, #tpu.memory_space<vmem>>[vector<16xi32>], vector<16xf32>,
    }
    %scan3A_62 = arith.constant 30 : i32
    %dma_start3A_63 = arith.constant 122 : i32
    %dma_start3A_64 = arith.constant 0 : i32
    %dma_start3A_65 = arith.constant 0 : i32
    %dma_start3A_66 = tpu.memref_slice %arg3[%add3A, %dma_start3A_63, %dma_start3A_64, %dma_start3A_65] : memref<32x125x2x80xi32, #tpu.memory_space<hbm>> -> memref<1x1x2x80xi32, #tpu.memory_space<hbm>>
    %dma_start3A_67 = tpu.memref_squeeze %dma_start3A_66 : memref<1x1x2x80xi32, #tpu.memory_space<hbm>> -> memref<2x80xi32, #tpu.memory_space<hbm>>
    %dma_start3A_68 = arith.constant 0 : i32
    %dma_start3A_69 = arith.constant 0 : i32
    %dma_start3A_70 = tpu.memref_slice %arg3[%add3A, %dma_start3A_63, %dma_start3A_68, %dma_start3A_69] : memref<32x125x2x80xi32, #tpu.memory_space<hbm>> -> memref<1x1x2x80xi32, #tpu.memory_space<hbm>>
    %dma_start3A_71 = tpu.memref_squeeze %dma_start3A_70 : memref<1x1x2x80xi32, #tpu.memory_space<hbm>> -> memref<2x80xi32, #tpu.memory_space<hbm>>
    tpu.enqueue_dma source(%dma_start3A_71 : memref<2x80xi32, #tpu.memory_space<hbm>>) target(%arg10 : memref<2x80xi32, #tpu.memory_space<vmem>>) target_semaphore(%arg18 : memref<!tpu.dma_semaphore, #tpu.memory_space<semaphore_mem>>)
    %dma_wait3A_72 = arith.constant 0 : i32
    %dma_wait3A_73 = arith.constant 0 : i32
    %dma_wait3A_74 = arith.constant 0 : i32
    %dma_wait3A_75 = arith.constant 0 : i32
    %dma_wait3A_76 = tpu.memref_slice %arg3[%dma_wait3A_72, %dma_wait3A_73, %dma_wait3A_74, %dma_wait3A_75] : memref<32x125x2x80xi32, #tpu.memory_space<hbm>> -> memref<1x1x2x80xi32, #tpu.memory_space<hbm>>
    %dma_wait3A_77 = tpu.memref_squeeze %dma_wait3A_76 : memref<1x1x2x80xi32, #tpu.memory_space<hbm>> -> memref<2x80xi32, #tpu.memory_space<hbm>>
    %dma_wait3A_78 = arith.constant 0 : i32
    %dma_wait3A_79 = arith.constant 0 : i32
    %dma_wait3A_80 = tpu.memref_slice %arg3[%dma_wait3A_72, %dma_wait3A_73, %dma_wait3A_78, %dma_wait3A_79] : memref<32x125x2x80xi32, #tpu.memory_space<hbm>> -> memref<1x1x2x80xi32, #tpu.memory_space<hbm>>
    %dma_wait3A_81 = tpu.memref_squeeze %dma_wait3A_80 : memref<1x1x2x80xi32, #tpu.memory_space<hbm>> -> memref<2x80xi32, #tpu.memory_space<hbm>>
    tpu.wait_dma2 semaphore(%arg17 : memref<!tpu.dma_semaphore, #tpu.memory_space<semaphore_mem>>) src(%dma_wait3A_81 : memref<2x80xi32, #tpu.memory_space<hbm>>) dst(%arg9 : memref<2x80xi32, #tpu.memory_space<vmem>>)
    %dma_wait3A_82 = arith.constant 0 : i32
    %dma_wait3A_83 = arith.constant 0 : i32
    %dma_wait3A_84 = tpu.memref_slice %arg4[%dma_wait3A_82, %dma_wait3A_83] : memref<10000x128xf32, #tpu.memory_space<hbm>> -> memref<80x128xf32, #tpu.memory_space<hbm>>
    %dma_wait3A_85 = arith.constant 0 : i32
    %dma_wait3A_86 = arith.constant 0 : i32
    %dma_wait3A_87 = tpu.memref_slice %arg4[%dma_wait3A_85, %dma_wait3A_86] : memref<10000x128xf32, #tpu.memory_space<hbm>> -> memref<80x128xf32, #tpu.memory_space<hbm>>
    tpu.wait_dma2 semaphore(%arg23 : memref<!tpu.dma_semaphore, #tpu.memory_space<semaphore_mem>>) src(%dma_wait3A_87 : memref<80x128xf32, #tpu.memory_space<hbm>>) dst(%arg13 : memref<80x128xf32, #tpu.memory_space<vmem>>)
    %dma_start3A_88 = arith.constant 0 : i32
    %dma_start3A_89 = arith.constant 0 : i32
    %dma_start3A_90 = tpu.memref_slice %arg9[%dma_start3A_88, %dma_start3A_89] : memref<2x80xi32, #tpu.memory_space<vmem>> -> memref<1x80xi32, #tpu.memory_space<vmem>>
    %dma_start3A_91 = tpu.memref_squeeze %dma_start3A_90 : memref<1x80xi32, #tpu.memory_space<vmem>> -> memref<80xi32, #tpu.memory_space<vmem>>
    %dma_start3A_92 = arith.constant 0 : i32
    %dma_start3A_93 = arith.constant 0 : i32
    %dma_start3A_94 = tpu.memref_slice %arg2[%dma_start3A_92, %dma_start3A_93] : memref<10000x128xf32, #tpu.memory_space<hbm>> -> memref<10000x128xf32, #tpu.memory_space<hbm>>
    tpu.enqueue_indirect_dma source(%dma_start3A_94 : memref<10000x128xf32, #tpu.memory_space<hbm>>) target(%arg13 : memref<80x128xf32, #tpu.memory_space<vmem>>) offsets(%dma_start3A_91 : memref<80xi32, #tpu.memory_space<vmem>>) semaphore(%arg21 : memref<!tpu.dma_semaphore, #tpu.memory_space<semaphore_mem>>)
    %dma_wait3A_95 = arith.constant 0 : i32
    %dma_wait3A_96 = arith.constant 0 : i32
    %dma_wait3A_97 = tpu.memref_slice %arg4[%dma_wait3A_95, %dma_wait3A_96] : memref<10000x128xf32, #tpu.memory_space<hbm>> -> memref<80x128xf32, #tpu.memory_space<hbm>>
    %dma_wait3A_98 = arith.constant 0 : i32
    %dma_wait3A_99 = arith.constant 0 : i32
    %dma_wait3A_100 = tpu.memref_slice %arg4[%dma_wait3A_98, %dma_wait3A_99] : memref<10000x128xf32, #tpu.memory_space<hbm>> -> memref<80x128xf32, #tpu.memory_space<hbm>>
    tpu.wait_dma2 semaphore(%arg20 : memref<!tpu.dma_semaphore, #tpu.memory_space<semaphore_mem>>) src(%dma_wait3A_100 : memref<80x128xf32, #tpu.memory_space<hbm>>) dst(%arg12 : memref<80x128xf32, #tpu.memory_space<vmem>>)
    %dma_start3A_101 = arith.constant 1 : i32
    %dma_start3A_102 = arith.constant 0 : i32
    %dma_start3A_103 = tpu.memref_slice %arg8[%dma_start3A_101, %dma_start3A_102] : memref<2x80xi32, #tpu.memory_space<vmem>> -> memref<1x80xi32, #tpu.memory_space<vmem>>
    %dma_start3A_104 = tpu.memref_squeeze %dma_start3A_103 : memref<1x80xi32, #tpu.memory_space<vmem>> -> memref<80xi32, #tpu.memory_space<vmem>>
    %dma_start3A_105 = arith.constant 0 : i32
    %dma_start3A_106 = arith.constant 0 : i32
    %dma_start3A_107 = tpu.memref_slice %arg15[%dma_start3A_105, %dma_start3A_106] : memref<10000x128xf32, #tpu.memory_space<vmem_shared>> -> memref<10000x128xf32, #tpu.memory_space<vmem_shared>>
    tpu.enqueue_indirect_dma source(%arg12 : memref<80x128xf32, #tpu.memory_space<vmem>>) target(%dma_start3A_107 : memref<10000x128xf32, #tpu.memory_space<vmem_shared>>) offsets(%dma_start3A_104 : memref<80xi32, #tpu.memory_space<vmem>>) semaphore(%arg22 : memref<!tpu.dma_semaphore, #tpu.memory_space<semaphore_mem>>) {add = true}
    %get3A = arith.constant 1 : i32
    %get3A_108 = arith.constant 0 : i32
    %get3A_109 = tpu.memref_slice %arg8[%get3A, %get3A_108] : memref<2x80xi32, #tpu.memory_space<vmem>> -> memref<1x80xi32, #tpu.memory_space<vmem>>
    %get3A_110 = tpu.memref_squeeze %get3A_109 : memref<1x80xi32, #tpu.memory_space<vmem>> -> memref<80xi32, #tpu.memory_space<vmem>>
    %get3A_111 = arith.constant 0 : index
    %get3A_112 = tpu.vector_load %get3A_110[%get3A_111] {strides = array<i32>} : memref<80xi32, #tpu.memory_space<vmem>>, vector<16xi32>,
    tpu.vector_store_idx %arg14[%get3A_112], %broadcast_in_dim3A_21 {add = true} : memref<10000xf32, #tpu.memory_space<vmem>>[vector<16xi32>], vector<16xf32>,
    %get3A_113 = arith.constant 1 : i32
    %get3A_114 = arith.constant 0 : i32
    %get3A_115 = tpu.memref_slice %arg8[%get3A_113, %get3A_114] : memref<2x80xi32, #tpu.memory_space<vmem>> -> memref<1x80xi32, #tpu.memory_space<vmem>>
    %get3A_116 = tpu.memref_squeeze %get3A_115 : memref<1x80xi32, #tpu.memory_space<vmem>> -> memref<80xi32, #tpu.memory_space<vmem>>
    %get3A_117 = arith.constant 16 : index
    %get3A_118 = tpu.vector_load %get3A_116[%get3A_117] {strides = array<i32>} : memref<80xi32, #tpu.memory_space<vmem>>, vector<16xi32>,
    tpu.vector_store_idx %arg14[%get3A_118], %broadcast_in_dim3A_21 {add = true} : memref<10000xf32, #tpu.memory_space<vmem>>[vector<16xi32>], vector<16xf32>,
    %get3A_119 = arith.constant 1 : i32
    %get3A_120 = arith.constant 0 : i32
    %get3A_121 = tpu.memref_slice %arg8[%get3A_119, %get3A_120] : memref<2x80xi32, #tpu.memory_space<vmem>> -> memref<1x80xi32, #tpu.memory_space<vmem>>
    %get3A_122 = tpu.memref_squeeze %get3A_121 : memref<1x80xi32, #tpu.memory_space<vmem>> -> memref<80xi32, #tpu.memory_space<vmem>>
    %get3A_123 = arith.constant 32 : index
    %get3A_124 = tpu.vector_load %get3A_122[%get3A_123] {strides = array<i32>} : memref<80xi32, #tpu.memory_space<vmem>>, vector<16xi32>,
    tpu.vector_store_idx %arg14[%get3A_124], %broadcast_in_dim3A_21 {add = true} : memref<10000xf32, #tpu.memory_space<vmem>>[vector<16xi32>], vector<16xf32>,
    %get3A_125 = arith.constant 1 : i32
    %get3A_126 = arith.constant 0 : i32
    %get3A_127 = tpu.memref_slice %arg8[%get3A_125, %get3A_126] : memref<2x80xi32, #tpu.memory_space<vmem>> -> memref<1x80xi32, #tpu.memory_space<vmem>>
    %get3A_128 = tpu.memref_squeeze %get3A_127 : memref<1x80xi32, #tpu.memory_space<vmem>> -> memref<80xi32, #tpu.memory_space<vmem>>
    %get3A_129 = arith.constant 48 : index
    %get3A_130 = tpu.vector_load %get3A_128[%get3A_129] {strides = array<i32>} : memref<80xi32, #tpu.memory_space<vmem>>, vector<16xi32>,
    tpu.vector_store_idx %arg14[%get3A_130], %broadcast_in_dim3A_21 {add = true} : memref<10000xf32, #tpu.memory_space<vmem>>[vector<16xi32>], vector<16xf32>,
    %get3A_131 = arith.constant 1 : i32
    %get3A_132 = arith.constant 0 : i32
    %get3A_133 = tpu.memref_slice %arg8[%get3A_131, %get3A_132] : memref<2x80xi32, #tpu.memory_space<vmem>> -> memref<1x80xi32, #tpu.memory_space<vmem>>
    %get3A_134 = tpu.memref_squeeze %get3A_133 : memref<1x80xi32, #tpu.memory_space<vmem>> -> memref<80xi32, #tpu.memory_space<vmem>>
    %get3A_135 = arith.constant 64 : index
    %get3A_136 = tpu.vector_load %get3A_134[%get3A_135] {strides = array<i32>} : memref<80xi32, #tpu.memory_space<vmem>>, vector<16xi32>,
    tpu.vector_store_idx %arg14[%get3A_136], %broadcast_in_dim3A_21 {add = true} : memref<10000xf32, #tpu.memory_space<vmem>>[vector<16xi32>], vector<16xf32>,
    %dma_start3A_137 = arith.constant 123 : i32
    %dma_start3A_138 = arith.constant 0 : i32
    %dma_start3A_139 = arith.constant 0 : i32
    %dma_start3A_140 = tpu.memref_slice %arg3[%add3A, %dma_start3A_137, %dma_start3A_138, %dma_start3A_139] : memref<32x125x2x80xi32, #tpu.memory_space<hbm>> -> memref<1x1x2x80xi32, #tpu.memory_space<hbm>>
    %dma_start3A_141 = tpu.memref_squeeze %dma_start3A_140 : memref<1x1x2x80xi32, #tpu.memory_space<hbm>> -> memref<2x80xi32, #tpu.memory_space<hbm>>
    %dma_start3A_142 = arith.constant 0 : i32
    %dma_start3A_143 = arith.constant 0 : i32
    %dma_start3A_144 = tpu.memref_slice %arg3[%add3A, %dma_start3A_137, %dma_start3A_142, %dma_start3A_143] : memref<32x125x2x80xi32, #tpu.memory_space<hbm>> -> memref<1x1x2x80xi32, #tpu.memory_space<hbm>>
    %dma_start3A_145 = tpu.memref_squeeze %dma_start3A_144 : memref<1x1x2x80xi32, #tpu.memory_space<hbm>> -> memref<2x80xi32, #tpu.memory_space<hbm>>
    tpu.enqueue_dma source(%dma_start3A_145 : memref<2x80xi32, #tpu.memory_space<hbm>>) target(%arg11 : memref<2x80xi32, #tpu.memory_space<vmem>>) target_semaphore(%arg19 : memref<!tpu.dma_semaphore, #tpu.memory_space<semaphore_mem>>)
    %dma_wait3A_146 = arith.constant 0 : i32
    %dma_wait3A_147 = arith.constant 0 : i32
    %dma_wait3A_148 = arith.constant 0 : i32
    %dma_wait3A_149 = arith.constant 0 : i32
    %dma_wait3A_150 = tpu.memref_slice %arg3[%dma_wait3A_146, %dma_wait3A_147, %dma_wait3A_148, %dma_wait3A_149] : memref<32x125x2x80xi32, #tpu.memory_space<hbm>> -> memref<1x1x2x80xi32, #tpu.memory_space<hbm>>
    %dma_wait3A_151 = tpu.memref_squeeze %dma_wait3A_150 : memref<1x1x2x80xi32, #tpu.memory_space<hbm>> -> memref<2x80xi32, #tpu.memory_space<hbm>>
    %dma_wait3A_152 = arith.constant 0 : i32
    %dma_wait3A_153 = arith.constant 0 : i32
    %dma_wait3A_154 = tpu.memref_slice %arg3[%dma_wait3A_146, %dma_wait3A_147, %dma_wait3A_152, %dma_wait3A_153] : memref<32x125x2x80xi32, #tpu.memory_space<hbm>> -> memref<1x1x2x80xi32, #tpu.memory_space<hbm>>
    %dma_wait3A_155 = tpu.memref_squeeze %dma_wait3A_154 : memref<1x1x2x80xi32, #tpu.memory_space<hbm>> -> memref<2x80xi32, #tpu.memory_space<hbm>>
    tpu.wait_dma2 semaphore(%arg18 : memref<!tpu.dma_semaphore, #tpu.memory_space<semaphore_mem>>) src(%dma_wait3A_155 : memref<2x80xi32, #tpu.memory_space<hbm>>) dst(%arg10 : memref<2x80xi32, #tpu.memory_space<vmem>>)
    %dma_wait3A_156 = arith.constant 0 : i32
    %dma_wait3A_157 = arith.constant 0 : i32
    %dma_wait3A_158 = tpu.memref_slice %arg4[%dma_wait3A_156, %dma_wait3A_157] : memref<10000x128xf32, #tpu.memory_space<hbm>> -> memref<80x128xf32, #tpu.memory_space<hbm>>
    %dma_wait3A_159 = arith.constant 0 : i32
    %dma_wait3A_160 = arith.constant 0 : i32
    %dma_wait3A_161 = tpu.memref_slice %arg4[%dma_wait3A_159, %dma_wait3A_160] : memref<10000x128xf32, #tpu.memory_space<hbm>> -> memref<80x128xf32, #tpu.memory_space<hbm>>
    tpu.wait_dma2 semaphore(%arg22 : memref<!tpu.dma_semaphore, #tpu.memory_space<semaphore_mem>>) src(%dma_wait3A_161 : memref<80x128xf32, #tpu.memory_space<hbm>>) dst(%arg12 : memref<80x128xf32, #tpu.memory_space<vmem>>)
    %dma_start3A_162 = arith.constant 0 : i32
    %dma_start3A_163 = arith.constant 0 : i32
    %dma_start3A_164 = tpu.memref_slice %arg10[%dma_start3A_162, %dma_start3A_163] : memref<2x80xi32, #tpu.memory_space<vmem>> -> memref<1x80xi32, #tpu.memory_space<vmem>>
    %dma_start3A_165 = tpu.memref_squeeze %dma_start3A_164 : memref<1x80xi32, #tpu.memory_space<vmem>> -> memref<80xi32, #tpu.memory_space<vmem>>
    %dma_start3A_166 = arith.constant 0 : i32
    %dma_start3A_167 = arith.constant 0 : i32
    %dma_start3A_168 = tpu.memref_slice %arg2[%dma_start3A_166, %dma_start3A_167] : memref<10000x128xf32, #tpu.memory_space<hbm>> -> memref<10000x128xf32, #tpu.memory_space<hbm>>
    tpu.enqueue_indirect_dma source(%dma_start3A_168 : memref<10000x128xf32, #tpu.memory_space<hbm>>) target(%arg12 : memref<80x128xf32, #tpu.memory_space<vmem>>) offsets(%dma_start3A_165 : memref<80xi32, #tpu.memory_space<vmem>>) semaphore(%arg20 : memref<!tpu.dma_semaphore, #tpu.memory_space<semaphore_mem>>)
    %dma_wait3A_169 = arith.constant 0 : i32
    %dma_wait3A_170 = arith.constant 0 : i32
    %dma_wait3A_171 = tpu.memref_slice %arg4[%dma_wait3A_169, %dma_wait3A_170] : memref<10000x128xf32, #tpu.memory_space<hbm>> -> memref<80x128xf32, #tpu.memory_space<hbm>>
    %dma_wait3A_172 = arith.constant 0 : i32
    %dma_wait3A_173 = arith.constant 0 : i32
    %dma_wait3A_174 = tpu.memref_slice %arg4[%dma_wait3A_172, %dma_wait3A_173] : memref<10000x128xf32, #tpu.memory_space<hbm>> -> memref<80x128xf32, #tpu.memory_space<hbm>>
    tpu.wait_dma2 semaphore(%arg21 : memref<!tpu.dma_semaphore, #tpu.memory_space<semaphore_mem>>) src(%dma_wait3A_174 : memref<80x128xf32, #tpu.memory_space<hbm>>) dst(%arg13 : memref<80x128xf32, #tpu.memory_space<vmem>>)
    %dma_start3A_175 = arith.constant 1 : i32
    %dma_start3A_176 = arith.constant 0 : i32
    %dma_start3A_177 = tpu.memref_slice %arg9[%dma_start3A_175, %dma_start3A_176] : memref<2x80xi32, #tpu.memory_space<vmem>> -> memref<1x80xi32, #tpu.memory_space<vmem>>
    %dma_start3A_178 = tpu.memref_squeeze %dma_start3A_177 : memref<1x80xi32, #tpu.memory_space<vmem>> -> memref<80xi32, #tpu.memory_space<vmem>>
    %dma_start3A_179 = arith.constant 0 : i32
    %dma_start3A_180 = arith.constant 0 : i32
    %dma_start3A_181 = tpu.memref_slice %arg15[%dma_start3A_179, %dma_start3A_180] : memref<10000x128xf32, #tpu.memory_space<vmem_shared>> -> memref<10000x128xf32, #tpu.memory_space<vmem_shared>>
    tpu.enqueue_indirect_dma source(%arg13 : memref<80x128xf32, #tpu.memory_space<vmem>>) target(%dma_start3A_181 : memref<10000x128xf32, #tpu.memory_space<vmem_shared>>) offsets(%dma_start3A_178 : memref<80xi32, #tpu.memory_space<vmem>>) semaphore(%arg23 : memref<!tpu.dma_semaphore, #tpu.memory_space<semaphore_mem>>) {add = true}
    %get3A_182 = arith.constant 1 : i32
    %get3A_183 = arith.constant 0 : i32
    %get3A_184 = tpu.memref_slice %arg9[%get3A_182, %get3A_183] : memref<2x80xi32, #tpu.memory_space<vmem>> -> memref<1x80xi32, #tpu.memory_space<vmem>>
    %get3A_185 = tpu.memref_squeeze %get3A_184 : memref<1x80xi32, #tpu.memory_space<vmem>> -> memref<80xi32, #tpu.memory_space<vmem>>
    %get3A_186 = arith.constant 0 : index
    %get3A_187 = tpu.vector_load %get3A_185[%get3A_186] {strides = array<i32>} : memref<80xi32, #tpu.memory_space<vmem>>, vector<16xi32>,
    tpu.vector_store_idx %arg14[%get3A_187], %broadcast_in_dim3A_21 {add = true} : memref<10000xf32, #tpu.memory_space<vmem>>[vector<16xi32>], vector<16xf32>,
    %get3A_188 = arith.constant 1 : i32
    %get3A_189 = arith.constant 0 : i32
    %get3A_190 = tpu.memref_slice %arg9[%get3A_188, %get3A_189] : memref<2x80xi32, #tpu.memory_space<vmem>> -> memref<1x80xi32, #tpu.memory_space<vmem>>
    %get3A_191 = tpu.memref_squeeze %get3A_190 : memref<1x80xi32, #tpu.memory_space<vmem>> -> memref<80xi32, #tpu.memory_space<vmem>>
    %get3A_192 = arith.constant 16 : index
    %get3A_193 = tpu.vector_load %get3A_191[%get3A_192] {strides = array<i32>} : memref<80xi32, #tpu.memory_space<vmem>>, vector<16xi32>,
    tpu.vector_store_idx %arg14[%get3A_193], %broadcast_in_dim3A_21 {add = true} : memref<10000xf32, #tpu.memory_space<vmem>>[vector<16xi32>], vector<16xf32>,
    %get3A_194 = arith.constant 1 : i32
    %get3A_195 = arith.constant 0 : i32
    %get3A_196 = tpu.memref_slice %arg9[%get3A_194, %get3A_195] : memref<2x80xi32, #tpu.memory_space<vmem>> -> memref<1x80xi32, #tpu.memory_space<vmem>>
    %get3A_197 = tpu.memref_squeeze %get3A_196 : memref<1x80xi32, #tpu.memory_space<vmem>> -> memref<80xi32, #tpu.memory_space<vmem>>
    %get3A_198 = arith.constant 32 : index
    %get3A_199 = tpu.vector_load %get3A_197[%get3A_198] {strides = array<i32>} : memref<80xi32, #tpu.memory_space<vmem>>, vector<16xi32>,
    tpu.vector_store_idx %arg14[%get3A_199], %broadcast_in_dim3A_21 {add = true} : memref<10000xf32, #tpu.memory_space<vmem>>[vector<16xi32>], vector<16xf32>,
    %get3A_200 = arith.constant 1 : i32
    %get3A_201 = arith.constant 0 : i32
    %get3A_202 = tpu.memref_slice %arg9[%get3A_200, %get3A_201] : memref<2x80xi32, #tpu.memory_space<vmem>> -> memref<1x80xi32, #tpu.memory_space<vmem>>
    %get3A_203 = tpu.memref_squeeze %get3A_202 : memref<1x80xi32, #tpu.memory_space<vmem>> -> memref<80xi32, #tpu.memory_space<vmem>>
    %get3A_204 = arith.constant 48 : index
    %get3A_205 = tpu.vector_load %get3A_203[%get3A_204] {strides = array<i32>} : memref<80xi32, #tpu.memory_space<vmem>>, vector<16xi32>,
    tpu.vector_store_idx %arg14[%get3A_205], %broadcast_in_dim3A_21 {add = true} : memref<10000xf32, #tpu.memory_space<vmem>>[vector<16xi32>], vector<16xf32>,
    %get3A_206 = arith.constant 1 : i32
    %get3A_207 = arith.constant 0 : i32
    %get3A_208 = tpu.memref_slice %arg9[%get3A_206, %get3A_207] : memref<2x80xi32, #tpu.memory_space<vmem>> -> memref<1x80xi32, #tpu.memory_space<vmem>>
    %get3A_209 = tpu.memref_squeeze %get3A_208 : memref<1x80xi32, #tpu.memory_space<vmem>> -> memref<80xi32, #tpu.memory_space<vmem>>
    %get3A_210 = arith.constant 64 : index
    %get3A_211 = tpu.vector_load %get3A_209[%get3A_210] {strides = array<i32>} : memref<80xi32, #tpu.memory_space<vmem>>, vector<16xi32>,
    tpu.vector_store_idx %arg14[%get3A_211], %broadcast_in_dim3A_21 {add = true} : memref<10000xf32, #tpu.memory_space<vmem>>[vector<16xi32>], vector<16xf32>,
    %dma_start3A_212 = arith.constant 124 : i32
    %dma_start3A_213 = arith.constant 0 : i32
    %dma_start3A_214 = arith.constant 0 : i32
    %dma_start3A_215 = tpu.memref_slice %arg3[%add3A, %dma_start3A_212, %dma_start3A_213, %dma_start3A_214] : memref<32x125x2x80xi32, #tpu.memory_space<hbm>> -> memref<1x1x2x80xi32, #tpu.memory_space<hbm>>
    %dma_start3A_216 = tpu.memref_squeeze %dma_start3A_215 : memref<1x1x2x80xi32, #tpu.memory_space<hbm>> -> memref<2x80xi32, #tpu.memory_space<hbm>>
    %dma_start3A_217 = arith.constant 0 : i32
    %dma_start3A_218 = arith.constant 0 : i32
    %dma_start3A_219 = tpu.memref_slice %arg3[%add3A, %dma_start3A_212, %dma_start3A_217, %dma_start3A_218] : memref<32x125x2x80xi32, #tpu.memory_space<hbm>> -> memref<1x1x2x80xi32, #tpu.memory_space<hbm>>
    %dma_start3A_220 = tpu.memref_squeeze %dma_start3A_219 : memref<1x1x2x80xi32, #tpu.memory_space<hbm>> -> memref<2x80xi32, #tpu.memory_space<hbm>>
    tpu.enqueue_dma source(%dma_start3A_220 : memref<2x80xi32, #tpu.memory_space<hbm>>) target(%arg8 : memref<2x80xi32, #tpu.memory_space<vmem>>) target_semaphore(%arg16 : memref<!tpu.dma_semaphore, #tpu.memory_space<semaphore_mem>>)
    %dma_wait3A_221 = arith.constant 0 : i32
    %dma_wait3A_222 = arith.constant 0 : i32
    %dma_wait3A_223 = arith.constant 0 : i32
    %dma_wait3A_224 = arith.constant 0 : i32
    %dma_wait3A_225 = tpu.memref_slice %arg3[%dma_wait3A_221, %dma_wait3A_222, %dma_wait3A_223, %dma_wait3A_224] : memref<32x125x2x80xi32, #tpu.memory_space<hbm>> -> memref<1x1x2x80xi32, #tpu.memory_space<hbm>>
    %dma_wait3A_226 = tpu.memref_squeeze %dma_wait3A_225 : memref<1x1x2x80xi32, #tpu.memory_space<hbm>> -> memref<2x80xi32, #tpu.memory_space<hbm>>
    %dma_wait3A_227 = arith.constant 0 : i32
    %dma_wait3A_228 = arith.constant 0 : i32
    %dma_wait3A_229 = tpu.memref_slice %arg3[%dma_wait3A_221, %dma_wait3A_222, %dma_wait3A_227, %dma_wait3A_228] : memref<32x125x2x80xi32, #tpu.memory_space<hbm>> -> memref<1x1x2x80xi32, #tpu.memory_space<hbm>>
    %dma_wait3A_230 = tpu.memref_squeeze %dma_wait3A_229 : memref<1x1x2x80xi32, #tpu.memory_space<hbm>> -> memref<2x80xi32, #tpu.memory_space<hbm>>
    tpu.wait_dma2 semaphore(%arg19 : memref<!tpu.dma_semaphore, #tpu.memory_space<semaphore_mem>>) src(%dma_wait3A_230 : memref<2x80xi32, #tpu.memory_space<hbm>>) dst(%arg11 : memref<2x80xi32, #tpu.memory_space<vmem>>)
    %dma_wait3A_231 = arith.constant 0 : i32
    %dma_wait3A_232 = arith.constant 0 : i32
    %dma_wait3A_233 = tpu.memref_slice %arg4[%dma_wait3A_231, %dma_wait3A_232] : memref<10000x128xf32, #tpu.memory_space<hbm>> -> memref<80x128xf32, #tpu.memory_space<hbm>>
    %dma_wait3A_234 = arith.constant 0 : i32
    %dma_wait3A_235 = arith.constant 0 : i32
    %dma_wait3A_236 = tpu.memref_slice %arg4[%dma_wait3A_234, %dma_wait3A_235] : memref<10000x128xf32, #tpu.memory_space<hbm>> -> memref<80x128xf32, #tpu.memory_space<hbm>>
    tpu.wait_dma2 semaphore(%arg23 : memref<!tpu.dma_semaphore, #tpu.memory_space<semaphore_mem>>) src(%dma_wait3A_236 : memref<80x128xf32, #tpu.memory_space<hbm>>) dst(%arg13 : memref<80x128xf32, #tpu.memory_space<vmem>>)
    %dma_start3A_237 = arith.constant 0 : i32
    %dma_start3A_238 = arith.constant 0 : i32
    %dma_start3A_239 = tpu.memref_slice %arg11[%dma_start3A_237, %dma_start3A_238] : memref<2x80xi32, #tpu.memory_space<vmem>> -> memref<1x80xi32, #tpu.memory_space<vmem>>
    %dma_start3A_240 = tpu.memref_squeeze %dma_start3A_239 : memref<1x80xi32, #tpu.memory_space<vmem>> -> memref<80xi32, #tpu.memory_space<vmem>>
    %dma_start3A_241 = arith.constant 0 : i32
    %dma_start3A_242 = arith.constant 0 : i32
    %dma_start3A_243 = tpu.memref_slice %arg2[%dma_start3A_241, %dma_start3A_242] : memref<10000x128xf32, #tpu.memory_space<hbm>> -> memref<10000x128xf32, #tpu.memory_space<hbm>>
    tpu.enqueue_indirect_dma source(%dma_start3A_243 : memref<10000x128xf32, #tpu.memory_space<hbm>>) target(%arg13 : memref<80x128xf32, #tpu.memory_space<vmem>>) offsets(%dma_start3A_240 : memref<80xi32, #tpu.memory_space<vmem>>) semaphore(%arg21 : memref<!tpu.dma_semaphore, #tpu.memory_space<semaphore_mem>>)
    %dma_wait3A_244 = arith.constant 0 : i32
    %dma_wait3A_245 = arith.constant 0 : i32
    %dma_wait3A_246 = tpu.memref_slice %arg4[%dma_wait3A_244, %dma_wait3A_245] : memref<10000x128xf32, #tpu.memory_space<hbm>> -> memref<80x128xf32, #tpu.memory_space<hbm>>
    %dma_wait3A_247 = arith.constant 0 : i32
    %dma_wait3A_248 = arith.constant 0 : i32
    %dma_wait3A_249 = tpu.memref_slice %arg4[%dma_wait3A_247, %dma_wait3A_248] : memref<10000x128xf32, #tpu.memory_space<hbm>> -> memref<80x128xf32, #tpu.memory_space<hbm>>
    tpu.wait_dma2 semaphore(%arg20 : memref<!tpu.dma_semaphore, #tpu.memory_space<semaphore_mem>>) src(%dma_wait3A_249 : memref<80x128xf32, #tpu.memory_space<hbm>>) dst(%arg12 : memref<80x128xf32, #tpu.memory_space<vmem>>)
    %dma_start3A_250 = arith.constant 1 : i32
    %dma_start3A_251 = arith.constant 0 : i32
    %dma_start3A_252 = tpu.memref_slice %arg10[%dma_start3A_250, %dma_start3A_251] : memref<2x80xi32, #tpu.memory_space<vmem>> -> memref<1x80xi32, #tpu.memory_space<vmem>>
    %dma_start3A_253 = tpu.memref_squeeze %dma_start3A_252 : memref<1x80xi32, #tpu.memory_space<vmem>> -> memref<80xi32, #tpu.memory_space<vmem>>
    %dma_start3A_254 = arith.constant 0 : i32
    %dma_start3A_255 = arith.constant 0 : i32
    %dma_start3A_256 = tpu.memref_slice %arg15[%dma_start3A_254, %dma_start3A_255] : memref<10000x128xf32, #tpu.memory_space<vmem_shared>> -> memref<10000x128xf32, #tpu.memory_space<vmem_shared>>
    tpu.enqueue_indirect_dma source(%arg12 : memref<80x128xf32, #tpu.memory_space<vmem>>) target(%dma_start3A_256 : memref<10000x128xf32, #tpu.memory_space<vmem_shared>>) offsets(%dma_start3A_253 : memref<80xi32, #tpu.memory_space<vmem>>) semaphore(%arg22 : memref<!tpu.dma_semaphore, #tpu.memory_space<semaphore_mem>>) {add = true}
    %get3A_257 = arith.constant 1 : i32
    %get3A_258 = arith.constant 0 : i32
    %get3A_259 = tpu.memref_slice %arg10[%get3A_257, %get3A_258] : memref<2x80xi32, #tpu.memory_space<vmem>> -> memref<1x80xi32, #tpu.memory_space<vmem>>
    %get3A_260 = tpu.memref_squeeze %get3A_259 : memref<1x80xi32, #tpu.memory_space<vmem>> -> memref<80xi32, #tpu.memory_space<vmem>>
    %get3A_261 = arith.constant 0 : index
    %get3A_262 = tpu.vector_load %get3A_260[%get3A_261] {strides = array<i32>} : memref<80xi32, #tpu.memory_space<vmem>>, vector<16xi32>,
    tpu.vector_store_idx %arg14[%get3A_262], %broadcast_in_dim3A_21 {add = true} : memref<10000xf32, #tpu.memory_space<vmem>>[vector<16xi32>], vector<16xf32>,
    %get3A_263 = arith.constant 1 : i32
    %get3A_264 = arith.constant 0 : i32
    %get3A_265 = tpu.memref_slice %arg10[%get3A_263, %get3A_264] : memref<2x80xi32, #tpu.memory_space<vmem>> -> memref<1x80xi32, #tpu.memory_space<vmem>>
    %get3A_266 = tpu.memref_squeeze %get3A_265 : memref<1x80xi32, #tpu.memory_space<vmem>> -> memref<80xi32, #tpu.memory_space<vmem>>
    %get3A_267 = arith.constant 16 : index
    %get3A_268 = tpu.vector_load %get3A_266[%get3A_267] {strides = array<i32>} : memref<80xi32, #tpu.memory_space<vmem>>, vector<16xi32>,
    tpu.vector_store_idx %arg14[%get3A_268], %broadcast_in_dim3A_21 {add = true} : memref<10000xf32, #tpu.memory_space<vmem>>[vector<16xi32>], vector<16xf32>,
    %get3A_269 = arith.constant 1 : i32
    %get3A_270 = arith.constant 0 : i32
    %get3A_271 = tpu.memref_slice %arg10[%get3A_269, %get3A_270] : memref<2x80xi32, #tpu.memory_space<vmem>> -> memref<1x80xi32, #tpu.memory_space<vmem>>
    %get3A_272 = tpu.memref_squeeze %get3A_271 : memref<1x80xi32, #tpu.memory_space<vmem>> -> memref<80xi32, #tpu.memory_space<vmem>>
    %get3A_273 = arith.constant 32 : index
    %get3A_274 = tpu.vector_load %get3A_272[%get3A_273] {strides = array<i32>} : memref<80xi32, #tpu.memory_space<vmem>>, vector<16xi32>,
    tpu.vector_store_idx %arg14[%get3A_274], %broadcast_in_dim3A_21 {add = true} : memref<10000xf32, #tpu.memory_space<vmem>>[vector<16xi32>], vector<16xf32>,
    %get3A_275 = arith.constant 1 : i32
    %get3A_276 = arith.constant 0 : i32
    %get3A_277 = tpu.memref_slice %arg10[%get3A_275, %get3A_276] : memref<2x80xi32, #tpu.memory_space<vmem>> -> memref<1x80xi32, #tpu.memory_space<vmem>>
    %get3A_278 = tpu.memref_squeeze %get3A_277 : memref<1x80xi32, #tpu.memory_space<vmem>> -> memref<80xi32, #tpu.memory_space<vmem>>
    %get3A_279 = arith.constant 48 : index
    %get3A_280 = tpu.vector_load %get3A_278[%get3A_279] {strides = array<i32>} : memref<80xi32, #tpu.memory_space<vmem>>, vector<16xi32>,
    tpu.vector_store_idx %arg14[%get3A_280], %broadcast_in_dim3A_21 {add = true} : memref<10000xf32, #tpu.memory_space<vmem>>[vector<16xi32>], vector<16xf32>,
    %get3A_281 = arith.constant 1 : i32
    %get3A_282 = arith.constant 0 : i32
    %get3A_283 = tpu.memref_slice %arg10[%get3A_281, %get3A_282] : memref<2x80xi32, #tpu.memory_space<vmem>> -> memref<1x80xi32, #tpu.memory_space<vmem>>
    %get3A_284 = tpu.memref_squeeze %get3A_283 : memref<1x80xi32, #tpu.memory_space<vmem>> -> memref<80xi32, #tpu.memory_space<vmem>>
    %get3A_285 = arith.constant 64 : index
    %get3A_286 = tpu.vector_load %get3A_284[%get3A_285] {strides = array<i32>} : memref<80xi32, #tpu.memory_space<vmem>>, vector<16xi32>,
    tpu.vector_store_idx %arg14[%get3A_286], %broadcast_in_dim3A_21 {add = true} : memref<10000xf32, #tpu.memory_space<vmem>>[vector<16xi32>], vector<16xf32>,
    %dma_wait3A_287 = arith.constant 0 : i32
    %dma_wait3A_288 = arith.constant 0 : i32
    %dma_wait3A_289 = arith.constant 0 : i32
    %dma_wait3A_290 = arith.constant 0 : i32
    %dma_wait3A_291 = tpu.memref_slice %arg3[%dma_wait3A_287, %dma_wait3A_288, %dma_wait3A_289, %dma_wait3A_290] : memref<32x125x2x80xi32, #tpu.memory_space<hbm>> -> memref<1x1x2x80xi32, #tpu.memory_space<hbm>>
    %dma_wait3A_292 = tpu.memref_squeeze %dma_wait3A_291 : memref<1x1x2x80xi32, #tpu.memory_space<hbm>> -> memref<2x80xi32, #tpu.memory_space<hbm>>
    %dma_wait3A_293 = arith.constant 0 : i32
    %dma_wait3A_294 = arith.constant 0 : i32
    %dma_wait3A_295 = tpu.memref_slice %arg3[%dma_wait3A_287, %dma_wait3A_288, %dma_wait3A_293, %dma_wait3A_294] : memref<32x125x2x80xi32, #tpu.memory_space<hbm>> -> memref<1x1x2x80xi32, #tpu.memory_space<hbm>>
    %dma_wait3A_296 = tpu.memref_squeeze %dma_wait3A_295 : memref<1x1x2x80xi32, #tpu.memory_space<hbm>> -> memref<2x80xi32, #tpu.memory_space<hbm>>
    tpu.wait_dma2 semaphore(%arg16 : memref<!tpu.dma_semaphore, #tpu.memory_space<semaphore_mem>>) src(%dma_wait3A_296 : memref<2x80xi32, #tpu.memory_space<hbm>>) dst(%arg8 : memref<2x80xi32, #tpu.memory_space<vmem>>)
    %dma_wait3A_297 = arith.constant 0 : i32
    %dma_wait3A_298 = arith.constant 0 : i32
    %dma_wait3A_299 = tpu.memref_slice %arg4[%dma_wait3A_297, %dma_wait3A_298] : memref<10000x128xf32, #tpu.memory_space<hbm>> -> memref<80x128xf32, #tpu.memory_space<hbm>>
    %dma_wait3A_300 = arith.constant 0 : i32
    %dma_wait3A_301 = arith.constant 0 : i32
    %dma_wait3A_302 = tpu.memref_slice %arg4[%dma_wait3A_300, %dma_wait3A_301] : memref<10000x128xf32, #tpu.memory_space<hbm>> -> memref<80x128xf32, #tpu.memory_space<hbm>>
    tpu.wait_dma2 semaphore(%arg22 : memref<!tpu.dma_semaphore, #tpu.memory_space<semaphore_mem>>) src(%dma_wait3A_302 : memref<80x128xf32, #tpu.memory_space<hbm>>) dst(%arg12 : memref<80x128xf32, #tpu.memory_space<vmem>>)
    %dma_start3A_303 = arith.constant 0 : i32
    %dma_start3A_304 = arith.constant 0 : i32
    %dma_start3A_305 = tpu.memref_slice %arg8[%dma_start3A_303, %dma_start3A_304] : memref<2x80xi32, #tpu.memory_space<vmem>> -> memref<1x80xi32, #tpu.memory_space<vmem>>
    %dma_start3A_306 = tpu.memref_squeeze %dma_start3A_305 : memref<1x80xi32, #tpu.memory_space<vmem>> -> memref<80xi32, #tpu.memory_space<vmem>>
    %dma_start3A_307 = arith.constant 0 : i32
    %dma_start3A_308 = arith.constant 0 : i32
    %dma_start3A_309 = tpu.memref_slice %arg2[%dma_start3A_307, %dma_start3A_308] : memref<10000x128xf32, #tpu.memory_space<hbm>> -> memref<10000x128xf32, #tpu.memory_space<hbm>>
    tpu.enqueue_indirect_dma source(%dma_start3A_309 : memref<10000x128xf32, #tpu.memory_space<hbm>>) target(%arg12 : memref<80x128xf32, #tpu.memory_space<vmem>>) offsets(%dma_start3A_306 : memref<80xi32, #tpu.memory_space<vmem>>) semaphore(%arg20 : memref<!tpu.dma_semaphore, #tpu.memory_space<semaphore_mem>>)
    %dma_wait3A_310 = arith.constant 0 : i32
    %dma_wait3A_311 = arith.constant 0 : i32
    %dma_wait3A_312 = tpu.memref_slice %arg4[%dma_wait3A_310, %dma_wait3A_311] : memref<10000x128xf32, #tpu.memory_space<hbm>> -> memref<80x128xf32, #tpu.memory_space<hbm>>
    %dma_wait3A_313 = arith.constant 0 : i32
    %dma_wait3A_314 = arith.constant 0 : i32
    %dma_wait3A_315 = tpu.memref_slice %arg4[%dma_wait3A_313, %dma_wait3A_314] : memref<10000x128xf32, #tpu.memory_space<hbm>> -> memref<80x128xf32, #tpu.memory_space<hbm>>
    tpu.wait_dma2 semaphore(%arg21 : memref<!tpu.dma_semaphore, #tpu.memory_space<semaphore_mem>>) src(%dma_wait3A_315 : memref<80x128xf32, #tpu.memory_space<hbm>>) dst(%arg13 : memref<80x128xf32, #tpu.memory_space<vmem>>)
    %dma_start3A_316 = arith.constant 1 : i32
    %dma_start3A_317 = arith.constant 0 : i32
    %dma_start3A_318 = tpu.memref_slice %arg11[%dma_start3A_316, %dma_start3A_317] : memref<2x80xi32, #tpu.memory_space<vmem>> -> memref<1x80xi32, #tpu.memory_space<vmem>>
    %dma_start3A_319 = tpu.memref_squeeze %dma_start3A_318 : memref<1x80xi32, #tpu.memory_space<vmem>> -> memref<80xi32, #tpu.memory_space<vmem>>
    %dma_start3A_320 = arith.constant 0 : i32
    %dma_start3A_321 = arith.constant 0 : i32
    %dma_start3A_322 = tpu.memref_slice %arg15[%dma_start3A_320, %dma_start3A_321] : memref<10000x128xf32, #tpu.memory_space<vmem_shared>> -> memref<10000x128xf32, #tpu.memory_space<vmem_shared>>
    tpu.enqueue_indirect_dma source(%arg13 : memref<80x128xf32, #tpu.memory_space<vmem>>) target(%dma_start3A_322 : memref<10000x128xf32, #tpu.memory_space<vmem_shared>>) offsets(%dma_start3A_319 : memref<80xi32, #tpu.memory_space<vmem>>) semaphore(%arg23 : memref<!tpu.dma_semaphore, #tpu.memory_space<semaphore_mem>>) {add = true}
    %get3A_323 = arith.constant 1 : i32
    %get3A_324 = arith.constant 0 : i32
    %get3A_325 = tpu.memref_slice %arg11[%get3A_323, %get3A_324] : memref<2x80xi32, #tpu.memory_space<vmem>> -> memref<1x80xi32, #tpu.memory_space<vmem>>
    %get3A_326 = tpu.memref_squeeze %get3A_325 : memref<1x80xi32, #tpu.memory_space<vmem>> -> memref<80xi32, #tpu.memory_space<vmem>>
    %get3A_327 = arith.constant 0 : index
    %get3A_328 = tpu.vector_load %get3A_326[%get3A_327] {strides = array<i32>} : memref<80xi32, #tpu.memory_space<vmem>>, vector<16xi32>,
    tpu.vector_store_idx %arg14[%get3A_328], %broadcast_in_dim3A_21 {add = true} : memref<10000xf32, #tpu.memory_space<vmem>>[vector<16xi32>], vector<16xf32>,
    %get3A_329 = arith.constant 1 : i32
    %get3A_330 = arith.constant 0 : i32
    %get3A_331 = tpu.memref_slice %arg11[%get3A_329, %get3A_330] : memref<2x80xi32, #tpu.memory_space<vmem>> -> memref<1x80xi32, #tpu.memory_space<vmem>>
    %get3A_332 = tpu.memref_squeeze %get3A_331 : memref<1x80xi32, #tpu.memory_space<vmem>> -> memref<80xi32, #tpu.memory_space<vmem>>
    %get3A_333 = arith.constant 16 : index
    %get3A_334 = tpu.vector_load %get3A_332[%get3A_333] {strides = array<i32>} : memref<80xi32, #tpu.memory_space<vmem>>, vector<16xi32>,
    tpu.vector_store_idx %arg14[%get3A_334], %broadcast_in_dim3A_21 {add = true} : memref<10000xf32, #tpu.memory_space<vmem>>[vector<16xi32>], vector<16xf32>,
    %get3A_335 = arith.constant 1 : i32
    %get3A_336 = arith.constant 0 : i32
    %get3A_337 = tpu.memref_slice %arg11[%get3A_335, %get3A_336] : memref<2x80xi32, #tpu.memory_space<vmem>> -> memref<1x80xi32, #tpu.memory_space<vmem>>
    %get3A_338 = tpu.memref_squeeze %get3A_337 : memref<1x80xi32, #tpu.memory_space<vmem>> -> memref<80xi32, #tpu.memory_space<vmem>>
    %get3A_339 = arith.constant 32 : index
    %get3A_340 = tpu.vector_load %get3A_338[%get3A_339] {strides = array<i32>} : memref<80xi32, #tpu.memory_space<vmem>>, vector<16xi32>,
    tpu.vector_store_idx %arg14[%get3A_340], %broadcast_in_dim3A_21 {add = true} : memref<10000xf32, #tpu.memory_space<vmem>>[vector<16xi32>], vector<16xf32>,
    %get3A_341 = arith.constant 1 : i32
    %get3A_342 = arith.constant 0 : i32
    %get3A_343 = tpu.memref_slice %arg11[%get3A_341, %get3A_342] : memref<2x80xi32, #tpu.memory_space<vmem>> -> memref<1x80xi32, #tpu.memory_space<vmem>>
    %get3A_344 = tpu.memref_squeeze %get3A_343 : memref<1x80xi32, #tpu.memory_space<vmem>> -> memref<80xi32, #tpu.memory_space<vmem>>
    %get3A_345 = arith.constant 48 : index
    %get3A_346 = tpu.vector_load %get3A_344[%get3A_345] {strides = array<i32>} : memref<80xi32, #tpu.memory_space<vmem>>, vector<16xi32>,
    tpu.vector_store_idx %arg14[%get3A_346], %broadcast_in_dim3A_21 {add = true} : memref<10000xf32, #tpu.memory_space<vmem>>[vector<16xi32>], vector<16xf32>,
    %get3A_347 = arith.constant 1 : i32
    %get3A_348 = arith.constant 0 : i32
    %get3A_349 = tpu.memref_slice %arg11[%get3A_347, %get3A_348] : memref<2x80xi32, #tpu.memory_space<vmem>> -> memref<1x80xi32, #tpu.memory_space<vmem>>
    %get3A_350 = tpu.memref_squeeze %get3A_349 : memref<1x80xi32, #tpu.memory_space<vmem>> -> memref<80xi32, #tpu.memory_space<vmem>>
    %get3A_351 = arith.constant 64 : index
    %get3A_352 = tpu.vector_load %get3A_350[%get3A_351] {strides = array<i32>} : memref<80xi32, #tpu.memory_space<vmem>>, vector<16xi32>,
    tpu.vector_store_idx %arg14[%get3A_352], %broadcast_in_dim3A_21 {add = true} : memref<10000xf32, #tpu.memory_space<vmem>>[vector<16xi32>], vector<16xf32>,
    %dma_wait3A_353 = arith.constant 0 : i32
    %dma_wait3A_354 = arith.constant 0 : i32
    %dma_wait3A_355 = tpu.memref_slice %arg4[%dma_wait3A_353, %dma_wait3A_354] : memref<10000x128xf32, #tpu.memory_space<hbm>> -> memref<80x128xf32, #tpu.memory_space<hbm>>
    %dma_wait3A_356 = arith.constant 0 : i32
    %dma_wait3A_357 = arith.constant 0 : i32
    %dma_wait3A_358 = tpu.memref_slice %arg4[%dma_wait3A_356, %dma_wait3A_357] : memref<10000x128xf32, #tpu.memory_space<hbm>> -> memref<80x128xf32, #tpu.memory_space<hbm>>
    tpu.wait_dma2 semaphore(%arg20 : memref<!tpu.dma_semaphore, #tpu.memory_space<semaphore_mem>>) src(%dma_wait3A_358 : memref<80x128xf32, #tpu.memory_space<hbm>>) dst(%arg12 : memref<80x128xf32, #tpu.memory_space<vmem>>)
    %dma_start3A_359 = arith.constant 1 : i32
    %dma_start3A_360 = arith.constant 0 : i32
    %dma_start3A_361 = tpu.memref_slice %arg8[%dma_start3A_359, %dma_start3A_360] : memref<2x80xi32, #tpu.memory_space<vmem>> -> memref<1x80xi32, #tpu.memory_space<vmem>>
    %dma_start3A_362 = tpu.memref_squeeze %dma_start3A_361 : memref<1x80xi32, #tpu.memory_space<vmem>> -> memref<80xi32, #tpu.memory_space<vmem>>
    %dma_start3A_363 = arith.constant 0 : i32
    %dma_start3A_364 = arith.constant 0 : i32
    %dma_start3A_365 = tpu.memref_slice %arg15[%dma_start3A_363, %dma_start3A_364] : memref<10000x128xf32, #tpu.memory_space<vmem_shared>> -> memref<10000x128xf32, #tpu.memory_space<vmem_shared>>
    tpu.enqueue_indirect_dma source(%arg12 : memref<80x128xf32, #tpu.memory_space<vmem>>) target(%dma_start3A_365 : memref<10000x128xf32, #tpu.memory_space<vmem_shared>>) offsets(%dma_start3A_362 : memref<80xi32, #tpu.memory_space<vmem>>) semaphore(%arg22 : memref<!tpu.dma_semaphore, #tpu.memory_space<semaphore_mem>>) {add = true}
    %get3A_366 = arith.constant 1 : i32
    %get3A_367 = arith.constant 0 : i32
    %get3A_368 = tpu.memref_slice %arg8[%get3A_366, %get3A_367] : memref<2x80xi32, #tpu.memory_space<vmem>> -> memref<1x80xi32, #tpu.memory_space<vmem>>
    %get3A_369 = tpu.memref_squeeze %get3A_368 : memref<1x80xi32, #tpu.memory_space<vmem>> -> memref<80xi32, #tpu.memory_space<vmem>>
    %get3A_370 = arith.constant 0 : index
    %get3A_371 = tpu.vector_load %get3A_369[%get3A_370] {strides = array<i32>} : memref<80xi32, #tpu.memory_space<vmem>>, vector<16xi32>,
    tpu.vector_store_idx %arg14[%get3A_371], %broadcast_in_dim3A_21 {add = true} : memref<10000xf32, #tpu.memory_space<vmem>>[vector<16xi32>], vector<16xf32>,
    %get3A_372 = arith.constant 1 : i32
    %get3A_373 = arith.constant 0 : i32
    %get3A_374 = tpu.memref_slice %arg8[%get3A_372, %get3A_373] : memref<2x80xi32, #tpu.memory_space<vmem>> -> memref<1x80xi32, #tpu.memory_space<vmem>>
    %get3A_375 = tpu.memref_squeeze %get3A_374 : memref<1x80xi32, #tpu.memory_space<vmem>> -> memref<80xi32, #tpu.memory_space<vmem>>
    %get3A_376 = arith.constant 16 : index
    %get3A_377 = tpu.vector_load %get3A_375[%get3A_376] {strides = array<i32>} : memref<80xi32, #tpu.memory_space<vmem>>, vector<16xi32>,
    tpu.vector_store_idx %arg14[%get3A_377], %broadcast_in_dim3A_21 {add = true} : memref<10000xf32, #tpu.memory_space<vmem>>[vector<16xi32>], vector<16xf32>,
    %get3A_378 = arith.constant 1 : i32
    %get3A_379 = arith.constant 0 : i32
    %get3A_380 = tpu.memref_slice %arg8[%get3A_378, %get3A_379] : memref<2x80xi32, #tpu.memory_space<vmem>> -> memref<1x80xi32, #tpu.memory_space<vmem>>
    %get3A_381 = tpu.memref_squeeze %get3A_380 : memref<1x80xi32, #tpu.memory_space<vmem>> -> memref<80xi32, #tpu.memory_space<vmem>>
    %get3A_382 = arith.constant 32 : index
    %get3A_383 = tpu.vector_load %get3A_381[%get3A_382] {strides = array<i32>} : memref<80xi32, #tpu.memory_space<vmem>>, vector<16xi32>,
    tpu.vector_store_idx %arg14[%get3A_383], %broadcast_in_dim3A_21 {add = true} : memref<10000xf32, #tpu.memory_space<vmem>>[vector<16xi32>], vector<16xf32>,
    %get3A_384 = arith.constant 1 : i32
    %get3A_385 = arith.constant 0 : i32
    %get3A_386 = tpu.memref_slice %arg8[%get3A_384, %get3A_385] : memref<2x80xi32, #tpu.memory_space<vmem>> -> memref<1x80xi32, #tpu.memory_space<vmem>>
    %get3A_387 = tpu.memref_squeeze %get3A_386 : memref<1x80xi32, #tpu.memory_space<vmem>> -> memref<80xi32, #tpu.memory_space<vmem>>
    %get3A_388 = arith.constant 48 : index
    %get3A_389 = tpu.vector_load %get3A_387[%get3A_388] {strides = array<i32>} : memref<80xi32, #tpu.memory_space<vmem>>, vector<16xi32>,
    tpu.vector_store_idx %arg14[%get3A_389], %broadcast_in_dim3A_21 {add = true} : memref<10000xf32, #tpu.memory_space<vmem>>[vector<16xi32>], vector<16xf32>,
    %get3A_390 = arith.constant 1 : i32
    %get3A_391 = arith.constant 0 : i32
    %get3A_392 = tpu.memref_slice %arg8[%get3A_390, %get3A_391] : memref<2x80xi32, #tpu.memory_space<vmem>> -> memref<1x80xi32, #tpu.memory_space<vmem>>
    %get3A_393 = tpu.memref_squeeze %get3A_392 : memref<1x80xi32, #tpu.memory_space<vmem>> -> memref<80xi32, #tpu.memory_space<vmem>>
    %get3A_394 = arith.constant 64 : index
    %get3A_395 = tpu.vector_load %get3A_393[%get3A_394] {strides = array<i32>} : memref<80xi32, #tpu.memory_space<vmem>>, vector<16xi32>,
    tpu.vector_store_idx %arg14[%get3A_395], %broadcast_in_dim3A_21 {add = true} : memref<10000xf32, #tpu.memory_space<vmem>>[vector<16xi32>], vector<16xf32>,
    %dma_wait3A_396 = arith.constant 0 : i32
    %dma_wait3A_397 = arith.constant 0 : i32
    %dma_wait3A_398 = tpu.memref_slice %arg4[%dma_wait3A_396, %dma_wait3A_397] : memref<10000x128xf32, #tpu.memory_space<hbm>> -> memref<80x128xf32, #tpu.memory_space<hbm>>
    %dma_wait3A_399 = arith.constant 0 : i32
    %dma_wait3A_400 = arith.constant 0 : i32
    %dma_wait3A_401 = tpu.memref_slice %arg4[%dma_wait3A_399, %dma_wait3A_400] : memref<10000x128xf32, #tpu.memory_space<hbm>> -> memref<80x128xf32, #tpu.memory_space<hbm>>
    tpu.wait_dma2 semaphore(%arg23 : memref<!tpu.dma_semaphore, #tpu.memory_space<semaphore_mem>>) src(%dma_wait3A_401 : memref<80x128xf32, #tpu.memory_space<hbm>>) dst(%arg13 : memref<80x128xf32, #tpu.memory_space<vmem>>)
    %dma_wait3A_402 = arith.constant 0 : i32
    %dma_wait3A_403 = arith.constant 0 : i32
    %dma_wait3A_404 = tpu.memref_slice %arg4[%dma_wait3A_402, %dma_wait3A_403] : memref<10000x128xf32, #tpu.memory_space<hbm>> -> memref<80x128xf32, #tpu.memory_space<hbm>>
    %dma_wait3A_405 = arith.constant 0 : i32
    %dma_wait3A_406 = arith.constant 0 : i32
    %dma_wait3A_407 = tpu.memref_slice %arg4[%dma_wait3A_405, %dma_wait3A_406] : memref<10000x128xf32, #tpu.memory_space<hbm>> -> memref<80x128xf32, #tpu.memory_space<hbm>>
    tpu.wait_dma2 semaphore(%arg22 : memref<!tpu.dma_semaphore, #tpu.memory_space<semaphore_mem>>) src(%dma_wait3A_407 : memref<80x128xf32, #tpu.memory_space<hbm>>) dst(%arg12 : memref<80x128xf32, #tpu.memory_space<vmem>>)
    %barrier3A_408 = arith.constant 0 : index
    tpu.barrier barrier_id(%barrier3A_408)
    %eq3A_409 = arith.constant 0 : i32
    %eq3A_410 = arith.cmpi eq, %arg0, %eq3A_409 : i32
    %convert_element_type3A_411 = arith.extui %eq3A_410 : i1 to i32
    %cond3A_412 = arith.constant 0 : i32
    %cond3A_413 = arith.cmpi ne, %convert_element_type3A_411, %cond3A_412 : i32
    scf.if %cond3A_413 {
      %dma_start3A_432 = arith.constant 0 : i32
      %dma_start3A_433 = tpu.memref_slice %arg5[%multiple_of3A, %dma_start3A_432] : memref<10000x128xf32, #tpu.memory_space<hbm>> -> memref<624x128xf32, #tpu.memory_space<hbm>>
      %dma_start3A_434 = arith.constant 0 : i32
      %dma_start3A_435 = tpu.memref_slice %arg15[%multiple_of3A, %dma_start3A_434] : memref<10000x128xf32, #tpu.memory_space<vmem_shared>> -> memref<624x128xf32, #tpu.memory_space<vmem_shared>>
      tpu.enqueue_dma source(%dma_start3A_435 : memref<624x128xf32, #tpu.memory_space<vmem_shared>>) target(%dma_start3A_433 : memref<624x128xf32, #tpu.memory_space<hbm>>) target_semaphore(%arg20 : memref<!tpu.dma_semaphore, #tpu.memory_space<semaphore_mem>>)
      %eq3A_436 = arith.constant 15 : i32
      %eq3A_437 = arith.cmpi eq, %arg1, %eq3A_436 : i32
      %convert_element_type3A_438 = arith.extui %eq3A_437 : i1 to i32
      %cond3A_439 = arith.constant 0 : i32
      %cond3A_440 = arith.cmpi ne, %convert_element_type3A_438, %cond3A_439 : i32
      scf.if %cond3A_440 {
        %dma_start3A_441 = arith.constant 9984 : i32
        %dma_start3A_442 = arith.constant 0 : i32
        %dma_start3A_443 = tpu.memref_slice %arg5[%dma_start3A_441, %dma_start3A_442] : memref<10000x128xf32, #tpu.memory_space<hbm>> -> memref<16x128xf32, #tpu.memory_space<hbm>>
        %dma_start3A_444 = arith.constant 9984 : i32
        %dma_start3A_445 = arith.constant 0 : i32
        %dma_start3A_446 = tpu.memref_slice %arg15[%dma_start3A_444, %dma_start3A_445] : memref<10000x128xf32, #tpu.memory_space<vmem_shared>> -> memref<16x128xf32, #tpu.memory_space<vmem_shared>>
        tpu.enqueue_dma source(%dma_start3A_446 : memref<16x128xf32, #tpu.memory_space<vmem_shared>>) target(%dma_start3A_443 : memref<16x128xf32, #tpu.memory_space<hbm>>) target_semaphore(%arg20 : memref<!tpu.dma_semaphore, #tpu.memory_space<semaphore_mem>>)
      } else {
      }
    } else {
    }
    %eq3A_414 = arith.constant 1 : i32
    %eq3A_415 = arith.cmpi eq, %arg0, %eq3A_414 : i32
    %convert_element_type3A_416 = arith.extui %eq3A_415 : i1 to i32
    %cond3A_417 = arith.constant 0 : i32
    %cond3A_418 = arith.cmpi ne, %convert_element_type3A_416, %cond3A_417 : i32
    scf.if %cond3A_418 {
      %dma_start3A_432 = arith.constant 0 : i32
      %dma_start3A_433 = tpu.memref_slice %arg6[%multiple_of3A, %dma_start3A_432] : memref<10000x128xf32, #tpu.memory_space<hbm>> -> memref<624x128xf32, #tpu.memory_space<hbm>>
      %dma_start3A_434 = arith.constant 0 : i32
      %dma_start3A_435 = tpu.memref_slice %arg15[%multiple_of3A, %dma_start3A_434] : memref<10000x128xf32, #tpu.memory_space<vmem_shared>> -> memref<624x128xf32, #tpu.memory_space<vmem_shared>>
      tpu.enqueue_dma source(%dma_start3A_435 : memref<624x128xf32, #tpu.memory_space<vmem_shared>>) target(%dma_start3A_433 : memref<624x128xf32, #tpu.memory_space<hbm>>) target_semaphore(%arg20 : memref<!tpu.dma_semaphore, #tpu.memory_space<semaphore_mem>>)
      %eq3A_436 = arith.constant 15 : i32
      %eq3A_437 = arith.cmpi eq, %arg1, %eq3A_436 : i32
      %convert_element_type3A_438 = arith.extui %eq3A_437 : i1 to i32
      %cond3A_439 = arith.constant 0 : i32
      %cond3A_440 = arith.cmpi ne, %convert_element_type3A_438, %cond3A_439 : i32
      scf.if %cond3A_440 {
        %dma_start3A_441 = arith.constant 9984 : i32
        %dma_start3A_442 = arith.constant 0 : i32
        %dma_start3A_443 = tpu.memref_slice %arg6[%dma_start3A_441, %dma_start3A_442] : memref<10000x128xf32, #tpu.memory_space<hbm>> -> memref<16x128xf32, #tpu.memory_space<hbm>>
        %dma_start3A_444 = arith.constant 9984 : i32
        %dma_start3A_445 = arith.constant 0 : i32
        %dma_start3A_446 = tpu.memref_slice %arg15[%dma_start3A_444, %dma_start3A_445] : memref<10000x128xf32, #tpu.memory_space<vmem_shared>> -> memref<16x128xf32, #tpu.memory_space<vmem_shared>>
        tpu.enqueue_dma source(%dma_start3A_446 : memref<16x128xf32, #tpu.memory_space<vmem_shared>>) target(%dma_start3A_443 : memref<16x128xf32, #tpu.memory_space<hbm>>) target_semaphore(%arg20 : memref<!tpu.dma_semaphore, #tpu.memory_space<semaphore_mem>>)
      } else {
      }
    } else {
    }
    %mul3A_419 = arith.constant 10000 : i32
    %mul3A_420 = arith.muli %add3A, %mul3A_419 : i32
    %multiple_of3A_421 = tpu.assume_multiple %mul3A_420, 8 : i32
    "tpu.region"() ({
      %run_scoped3A = tpu.sem_alloc : memref<!tpu.dma_semaphore, #tpu.memory_space<semaphore_mem>>
      %dma_start3A_432 = tpu.memref_slice %arg7[%multiple_of3A_421] : memref<320000xf32, #tpu.memory_space<hbm>> -> memref<10000xf32, #tpu.memory_space<hbm>>
      %dma_start3A_433 = tpu.memref_slice %arg7[%multiple_of3A_421] : memref<320000xf32, #tpu.memory_space<hbm>> -> memref<10000xf32, #tpu.memory_space<hbm>>
      tpu.enqueue_dma source(%arg14 : memref<10000xf32, #tpu.memory_space<vmem>>) target(%dma_start3A_433 : memref<10000xf32, #tpu.memory_space<hbm>>) target_semaphore(%run_scoped3A : memref<!tpu.dma_semaphore, #tpu.memory_space<semaphore_mem>>)
      %dma_wait3A_434 = tpu.memref_slice %arg7[%multiple_of3A_421] : memref<320000xf32, #tpu.memory_space<hbm>> -> memref<10000xf32, #tpu.memory_space<hbm>>
      %dma_wait3A_435 = tpu.memref_slice %arg7[%multiple_of3A_421] : memref<320000xf32, #tpu.memory_space<hbm>> -> memref<10000xf32, #tpu.memory_space<hbm>>
      tpu.wait_dma2 semaphore(%run_scoped3A : memref<!tpu.dma_semaphore, #tpu.memory_space<semaphore_mem>>) src(%arg14 : memref<10000xf32, #tpu.memory_space<vmem>>) dst(%dma_wait3A_435 : memref<10000xf32, #tpu.memory_space<hbm>>)
      tpu.yield
    }) : () -> ()
    %eq3A_422 = arith.constant 0 : i32
    %eq3A_423 = arith.cmpi eq, %arg0, %eq3A_422 : i32
    %convert_element_type3A_424 = arith.extui %eq3A_423 : i1 to i32
    %cond3A_425 = arith.constant 0 : i32
    %cond3A_426 = arith.cmpi ne, %convert_element_type3A_424, %cond3A_425 : i32
    scf.if %cond3A_426 {
      %dma_wait3A_432 = arith.constant 0 : i32
      %dma_wait3A_433 = tpu.memref_slice %arg5[%multiple_of3A, %dma_wait3A_432] : memref<10000x128xf32, #tpu.memory_space<hbm>> -> memref<624x128xf32, #tpu.memory_space<hbm>>
      %dma_wait3A_434 = arith.constant 0 : i32
      %dma_wait3A_435 = tpu.memref_slice %arg15[%multiple_of3A, %dma_wait3A_434] : memref<10000x128xf32, #tpu.memory_space<vmem_shared>> -> memref<624x128xf32, #tpu.memory_space<vmem_shared>>
      tpu.wait_dma2 semaphore(%arg20 : memref<!tpu.dma_semaphore, #tpu.memory_space<semaphore_mem>>) src(%dma_wait3A_435 : memref<624x128xf32, #tpu.memory_space<vmem_shared>>) dst(%dma_wait3A_433 : memref<624x128xf32, #tpu.memory_space<hbm>>)
      %eq3A_436 = arith.constant 15 : i32
      %eq3A_437 = arith.cmpi eq, %arg1, %eq3A_436 : i32
      %convert_element_type3A_438 = arith.extui %eq3A_437 : i1 to i32
      %cond3A_439 = arith.constant 0 : i32
      %cond3A_440 = arith.cmpi ne, %convert_element_type3A_438, %cond3A_439 : i32
      scf.if %cond3A_440 {
        %dma_wait3A_441 = arith.constant 9984 : i32
        %dma_wait3A_442 = arith.constant 0 : i32
        %dma_wait3A_443 = tpu.memref_slice %arg5[%dma_wait3A_441, %dma_wait3A_442] : memref<10000x128xf32, #tpu.memory_space<hbm>> -> memref<16x128xf32, #tpu.memory_space<hbm>>
        %dma_wait3A_444 = arith.constant 9984 : i32
        %dma_wait3A_445 = arith.constant 0 : i32
        %dma_wait3A_446 = tpu.memref_slice %arg15[%dma_wait3A_444, %dma_wait3A_445] : memref<10000x128xf32, #tpu.memory_space<vmem_shared>> -> memref<16x128xf32, #tpu.memory_space<vmem_shared>>
        tpu.wait_dma2 semaphore(%arg20 : memref<!tpu.dma_semaphore, #tpu.memory_space<semaphore_mem>>) src(%dma_wait3A_446 : memref<16x128xf32, #tpu.memory_space<vmem_shared>>) dst(%dma_wait3A_443 : memref<16x128xf32, #tpu.memory_space<hbm>>)
      } else {
      }
    } else {
    }
    %eq3A_427 = arith.constant 1 : i32
    %eq3A_428 = arith.cmpi eq, %arg0, %eq3A_427 : i32
    %convert_element_type3A_429 = arith.extui %eq3A_428 : i1 to i32
    %cond3A_430 = arith.constant 0 : i32
    %cond3A_431 = arith.cmpi ne, %convert_element_type3A_429, %cond3A_430 : i32
    scf.if %cond3A_431 {
      %dma_wait3A_432 = arith.constant 0 : i32
      %dma_wait3A_433 = tpu.memref_slice %arg6[%multiple_of3A, %dma_wait3A_432] : memref<10000x128xf32, #tpu.memory_space<hbm>> -> memref<624x128xf32, #tpu.memory_space<hbm>>
      %dma_wait3A_434 = arith.constant 0 : i32
      %dma_wait3A_435 = tpu.memref_slice %arg15[%multiple_of3A, %dma_wait3A_434] : memref<10000x128xf32, #tpu.memory_space<vmem_shared>> -> memref<624x128xf32, #tpu.memory_space<vmem_shared>>
      tpu.wait_dma2 semaphore(%arg20 : memref<!tpu.dma_semaphore, #tpu.memory_space<semaphore_mem>>) src(%dma_wait3A_435 : memref<624x128xf32, #tpu.memory_space<vmem_shared>>) dst(%dma_wait3A_433 : memref<624x128xf32, #tpu.memory_space<hbm>>)
      %eq3A_436 = arith.constant 15 : i32
      %eq3A_437 = arith.cmpi eq, %arg1, %eq3A_436 : i32
      %convert_element_type3A_438 = arith.extui %eq3A_437 : i1 to i32
      %cond3A_439 = arith.constant 0 : i32
      %cond3A_440 = arith.cmpi ne, %convert_element_type3A_438, %cond3A_439 : i32
      scf.if %cond3A_440 {
        %dma_wait3A_441 = arith.constant 9984 : i32
        %dma_wait3A_442 = arith.constant 0 : i32
        %dma_wait3A_443 = tpu.memref_slice %arg6[%dma_wait3A_441, %dma_wait3A_442] : memref<10000x128xf32, #tpu.memory_space<hbm>> -> memref<16x128xf32, #tpu.memory_space<hbm>>
        %dma_wait3A_444 = arith.constant 9984 : i32
        %dma_wait3A_445 = arith.constant 0 : i32
        %dma_wait3A_446 = tpu.memref_slice %arg15[%dma_wait3A_444, %dma_wait3A_445] : memref<10000x128xf32, #tpu.memory_space<vmem_shared>> -> memref<16x128xf32, #tpu.memory_space<vmem_shared>>
        tpu.wait_dma2 semaphore(%arg20 : memref<!tpu.dma_semaphore, #tpu.memory_space<semaphore_mem>>) src(%dma_wait3A_446 : memref<16x128xf32, #tpu.memory_space<vmem_shared>>) dst(%dma_wait3A_443 : memref<16x128xf32, #tpu.memory_space<hbm>>)
      } else {
      }
    } else {
    }
    return
  }
}

module attributes {stable_mosaic.version = 14 : i64} {
  func.func @_dense_body(%arg0: i32, %arg1: memref<2000x128xf32, #tpu.memory_space<vmem>>, %arg2: memref<2000x128xf32, #tpu.memory_space<vmem>>, %arg3: memref<2000x128xf32, #tpu.memory_space<vmem>>, %arg4: memref<2000x32xf32, #tpu.memory_space<vmem>>, %arg5: memref<128x128xf32, #tpu.memory_space<vmem>>, %arg6: memref<128x128xf32, #tpu.memory_space<vmem>>, %arg7: memref<128x128xf32, #tpu.memory_space<vmem>>, %arg8: memref<128x128xf32, #tpu.memory_space<vmem>>, %arg9: memref<128x128xf32, #tpu.memory_space<vmem>>, %arg10: memref<128x128xf32, #tpu.memory_space<vmem>>, %arg11: memref<2x128xf32, #tpu.memory_space<vmem>>, %arg12: memref<128x128xf32, #tpu.memory_space<vmem>>, %arg13: memref<1x128xf32, #tpu.memory_space<vmem>>, %arg14: memref<1x128xf32, #tpu.memory_space<vmem>>, %arg15: memref<1x128xf32, #tpu.memory_space<vmem>>, %arg16: memref<1x128xf32, #tpu.memory_space<vmem>>, %arg17: memref<1x128xf32, #tpu.memory_space<vmem>>, %arg18: memref<2000x128xf32, #tpu.memory_space<vmem>>) attributes {dimension_semantics = [#tpu.dimension_semantics<arbitrary>], iteration_bounds = array<i64: 5>, scalar_prefetch = 0 : i64, scratch_operands = 0 : i64, tpu.core_type = #tpu.core_type<tc>, window_params = [{transform_indices = @transform_0, window_bounds = array<i64: 2000, 128>}, {transform_indices = @transform_1, window_bounds = array<i64: 2000, 128>}, {transform_indices = @transform_2, window_bounds = array<i64: 2000, 128>}, {transform_indices = @transform_3, window_bounds = array<i64: 2000, 32>}, {pipeline_mode = #tpu.pipeline_mode<synchronous>, transform_indices = @transform_4, window_bounds = array<i64: 128, 128>}, {pipeline_mode = #tpu.pipeline_mode<synchronous>, transform_indices = @transform_5, window_bounds = array<i64: 128, 128>}, {pipeline_mode = #tpu.pipeline_mode<synchronous>, transform_indices = @transform_6, window_bounds = array<i64: 128, 128>}, {pipeline_mode = #tpu.pipeline_mode<synchronous>, transform_indices = @transform_7, window_bounds = array<i64: 128, 128>}, {pipeline_mode = #tpu.pipeline_mode<synchronous>, transform_indices = @transform_8, window_bounds = array<i64: 128, 128>}, {pipeline_mode = #tpu.pipeline_mode<synchronous>, transform_indices = @transform_9, window_bounds = array<i64: 128, 128>}, {pipeline_mode = #tpu.pipeline_mode<synchronous>, transform_indices = @transform_10, window_bounds = array<i64: 2, 128>}, {pipeline_mode = #tpu.pipeline_mode<synchronous>, transform_indices = @transform_11, window_bounds = array<i64: 128, 128>}, {pipeline_mode = #tpu.pipeline_mode<synchronous>, transform_indices = @transform_12, window_bounds = array<i64: 1, 128>}, {pipeline_mode = #tpu.pipeline_mode<synchronous>, transform_indices = @transform_13, window_bounds = array<i64: 1, 128>}, {pipeline_mode = #tpu.pipeline_mode<synchronous>, transform_indices = @transform_14, window_bounds = array<i64: 1, 128>}, {pipeline_mode = #tpu.pipeline_mode<synchronous>, transform_indices = @transform_15, window_bounds = array<i64: 1, 128>}, {pipeline_mode = #tpu.pipeline_mode<synchronous>, transform_indices = @transform_16, window_bounds = array<i64: 1, 128>}, {transform_indices = @transform_17, window_bounds = array<i64: 2000, 128>}]} {
    %get3A = arith.constant 0 : index
    %get3A_0 = arith.constant 0 : index
    %get3A_1 = vector.load %arg4[%get3A, %get3A_0] : memref<2000x32xf32, #tpu.memory_space<vmem>>, vector<2000x32xf32>
    %reduce_sum3A = arith.constant dense<0.000000e+00> : vector<2000xf32>
    %reduce_sum3A_2 = vector.multi_reduction <add>, %get3A_1, %reduce_sum3A [1] : vector<2000x32xf32> to vector<2000xf32>
    %max3A = arith.constant 1.000000e+00 : f32
    %max3A_3 = vector.broadcast %max3A : f32 to vector<2000xf32>
    %max3A_4 = arith.maximumf %reduce_sum3A_2, %max3A_3 : vector<2000xf32>
    %get3A_5 = arith.constant 0 : index
    %get3A_6 = arith.constant 0 : index
    %get3A_7 = vector.load %arg2[%get3A_5, %get3A_6] : memref<2000x128xf32, #tpu.memory_space<vmem>>, vector<2000x128xf32>
    %get3A_8 = arith.constant 0 : index
    %get3A_9 = arith.constant 0 : index
    %get3A_10 = vector.load %arg3[%get3A_8, %get3A_9] : memref<2000x128xf32, #tpu.memory_space<vmem>>, vector<2000x128xf32>
    %add3A = arith.addf %get3A_7, %get3A_10 : vector<2000x128xf32>
    %broadcast_in_dim3A = vector.shape_cast %max3A_4 : vector<2000xf32> to vector<2000x1xf32>
    %div3A = vector.broadcast %broadcast_in_dim3A : vector<2000x1xf32> to vector<2000x128xf32>
    %div3A_11 = arith.divf %add3A, %div3A : vector<2000x128xf32>
    %get3A_12 = arith.constant 0 : index
    %get3A_13 = arith.constant 0 : index
    %get3A_14 = vector.load %arg1[%get3A_12, %get3A_13] : memref<2000x128xf32, #tpu.memory_space<vmem>>, vector<2000x128xf32>
    %get3A_15 = arith.constant 0 : index
    %get3A_16 = arith.constant 0 : index
    %get3A_17 = vector.load %arg5[%get3A_15, %get3A_16] : memref<128x128xf32, #tpu.memory_space<vmem>>, vector<128x128xf32>
    %dot_general3A = arith.constant dense<0.000000e+00> : vector<2000x128xf32>
    %dot_general3A_18 = tpu.matmul %get3A_14, %get3A_17, %dot_general3A {dimension_numbers = #tpu.dot_dimension_numbers<[1], [1], [0], [0], [0, 0, 1, 0], [], []>, transpose_lhs_hint = false} : vector<2000x128xf32>, vector<128x128xf32>, vector<2000x128xf32> -> vector<2000x128xf32>
    %get3A_19 = arith.constant 0 : index
    %get3A_20 = arith.constant 0 : index
    %get3A_21 = vector.load %arg6[%get3A_19, %get3A_20] : memref<128x128xf32, #tpu.memory_space<vmem>>, vector<128x128xf32>
    %dot_general3A_22 = arith.constant dense<0.000000e+00> : vector<2000x128xf32>
    %dot_general3A_23 = tpu.matmul %div3A_11, %get3A_21, %dot_general3A_22 {dimension_numbers = #tpu.dot_dimension_numbers<[1], [1], [0], [0], [0, 0, 1, 0], [], []>, transpose_lhs_hint = false} : vector<2000x128xf32>, vector<128x128xf32>, vector<2000x128xf32> -> vector<2000x128xf32>
    %add3A_24 = arith.addf %dot_general3A_18, %dot_general3A_23 : vector<2000x128xf32>
    %get3A_25 = arith.constant 0 : index
    %get3A_26 = arith.constant 0 : index
    %get3A_27 = vector.load %arg13[%get3A_25, %get3A_26] : memref<1x128xf32, #tpu.memory_space<vmem>>, vector<1x128xf32>
    %add3A_28 = vector.broadcast %get3A_27 : vector<1x128xf32> to vector<2000x128xf32>
    %add3A_29 = arith.addf %add3A_24, %add3A_28 : vector<2000x128xf32>
    %get3A_30 = arith.constant 0 : index
    %get3A_31 = arith.constant 0 : index
    %get3A_32 = vector.load %arg7[%get3A_30, %get3A_31] : memref<128x128xf32, #tpu.memory_space<vmem>>, vector<128x128xf32>
    %dot_general3A_33 = arith.constant dense<0.000000e+00> : vector<2000x128xf32>
    %dot_general3A_34 = tpu.matmul %add3A_29, %get3A_32, %dot_general3A_33 {dimension_numbers = #tpu.dot_dimension_numbers<[1], [1], [0], [0], [0, 0, 1, 0], [], []>, transpose_lhs_hint = false} : vector<2000x128xf32>, vector<128x128xf32>, vector<2000x128xf32> -> vector<2000x128xf32>
    %get3A_35 = arith.constant 0 : index
    %get3A_36 = arith.constant 0 : index
    %get3A_37 = vector.load %arg14[%get3A_35, %get3A_36] : memref<1x128xf32, #tpu.memory_space<vmem>>, vector<1x128xf32>
    %add3A_38 = vector.broadcast %get3A_37 : vector<1x128xf32> to vector<2000x128xf32>
    %add3A_39 = arith.addf %dot_general3A_34, %add3A_38 : vector<2000x128xf32>
    %max3A_40 = arith.constant 0.000000e+00 : f32
    %max3A_41 = vector.broadcast %max3A_40 : f32 to vector<2000x128xf32>
    %max3A_42 = arith.maximumf %add3A_39, %max3A_41 : vector<2000x128xf32>
    %get3A_43 = arith.constant 0 : index
    %get3A_44 = arith.constant 0 : index
    %get3A_45 = vector.load %arg8[%get3A_43, %get3A_44] : memref<128x128xf32, #tpu.memory_space<vmem>>, vector<128x128xf32>
    %dot_general3A_46 = arith.constant dense<0.000000e+00> : vector<2000x128xf32>
    %dot_general3A_47 = tpu.matmul %get3A_14, %get3A_45, %dot_general3A_46 {dimension_numbers = #tpu.dot_dimension_numbers<[1], [1], [0], [0], [0, 0, 1, 0], [], []>, transpose_lhs_hint = false} : vector<2000x128xf32>, vector<128x128xf32>, vector<2000x128xf32> -> vector<2000x128xf32>
    %get3A_48 = arith.constant 0 : index
    %get3A_49 = arith.constant 0 : index
    %get3A_50 = vector.load %arg9[%get3A_48, %get3A_49] : memref<128x128xf32, #tpu.memory_space<vmem>>, vector<128x128xf32>
    %dot_general3A_51 = arith.constant dense<0.000000e+00> : vector<2000x128xf32>
    %dot_general3A_52 = tpu.matmul %div3A_11, %get3A_50, %dot_general3A_51 {dimension_numbers = #tpu.dot_dimension_numbers<[1], [1], [0], [0], [0, 0, 1, 0], [], []>, transpose_lhs_hint = false} : vector<2000x128xf32>, vector<128x128xf32>, vector<2000x128xf32> -> vector<2000x128xf32>
    %add3A_53 = arith.addf %dot_general3A_47, %dot_general3A_52 : vector<2000x128xf32>
    %get3A_54 = arith.constant 0 : index
    %get3A_55 = arith.constant 0 : index
    %get3A_56 = vector.load %arg15[%get3A_54, %get3A_55] : memref<1x128xf32, #tpu.memory_space<vmem>>, vector<1x128xf32>
    %add3A_57 = vector.broadcast %get3A_56 : vector<1x128xf32> to vector<2000x128xf32>
    %add3A_58 = arith.addf %add3A_53, %add3A_57 : vector<2000x128xf32>
    %get3A_59 = arith.constant 0 : index
    %get3A_60 = arith.constant 0 : index
    %get3A_61 = vector.load %arg10[%get3A_59, %get3A_60] : memref<128x128xf32, #tpu.memory_space<vmem>>, vector<128x128xf32>
    %dot_general3A_62 = arith.constant dense<0.000000e+00> : vector<2000x128xf32>
    %dot_general3A_63 = tpu.matmul %add3A_58, %get3A_61, %dot_general3A_62 {dimension_numbers = #tpu.dot_dimension_numbers<[1], [1], [0], [0], [0, 0, 1, 0], [], []>, transpose_lhs_hint = false} : vector<2000x128xf32>, vector<128x128xf32>, vector<2000x128xf32> -> vector<2000x128xf32>
    %get3A_64 = arith.constant 0 : index
    %get3A_65 = arith.constant 0 : index
    %get3A_66 = vector.load %arg16[%get3A_64, %get3A_65] : memref<1x128xf32, #tpu.memory_space<vmem>>, vector<1x128xf32>
    %add3A_67 = vector.broadcast %get3A_66 : vector<1x128xf32> to vector<2000x128xf32>
    %add3A_68 = arith.addf %dot_general3A_63, %add3A_67 : vector<2000x128xf32>
    %max3A_69 = arith.constant 0.000000e+00 : f32
    %max3A_70 = vector.broadcast %max3A_69 : f32 to vector<2000x128xf32>
    %max3A_71 = arith.maximumf %add3A_68, %max3A_70 : vector<2000x128xf32>
    %get3A_72 = arith.constant 0 : index
    %get3A_73 = arith.constant 0 : index
    %get3A_74 = vector.load %arg11[%get3A_72, %get3A_73] : memref<2x128xf32, #tpu.memory_space<vmem>>, vector<2x128xf32>
    %reduce_max3A = arith.constant dense<0xFF800000> : vector<128xf32>
    %reduce_max3A_75 = vector.multi_reduction <maximumf>, %get3A_74, %reduce_max3A [0] : vector<2x128xf32> to vector<128xf32>
    %broadcast_in_dim3A_76 = vector.shape_cast %reduce_max3A_75 : vector<128xf32> to vector<1x128xf32>
    %sub3A = vector.broadcast %broadcast_in_dim3A_76 : vector<1x128xf32> to vector<2x128xf32>
    %sub3A_77 = arith.subf %get3A_74, %sub3A : vector<2x128xf32>
    %exp3A = math.exp %sub3A_77 : vector<2x128xf32>
    %reduce_sum3A_78 = arith.constant dense<0.000000e+00> : vector<128xf32>
    %reduce_sum3A_79 = vector.multi_reduction <add>, %exp3A, %reduce_sum3A_78 [0] : vector<2x128xf32> to vector<128xf32>
    %broadcast_in_dim3A_80 = vector.shape_cast %reduce_sum3A_79 : vector<128xf32> to vector<1x128xf32>
    %div3A_81 = vector.broadcast %broadcast_in_dim3A_80 : vector<1x128xf32> to vector<2x128xf32>
    %div3A_82 = arith.divf %exp3A, %div3A_81 : vector<2x128xf32>
    %slice3A = vector.extract_strided_slice %div3A_82 {offsets = [0, 0], sizes = [1, 128], strides = [1, 1]} : vector<2x128xf32> to vector<1x128xf32>
    %mul3A = vector.broadcast %slice3A : vector<1x128xf32> to vector<2000x128xf32>
    %mul3A_83 = arith.mulf %mul3A, %max3A_42 : vector<2000x128xf32>
    %slice3A_84 = vector.extract_strided_slice %div3A_82 {offsets = [1, 0], sizes = [1, 128], strides = [1, 1]} : vector<2x128xf32> to vector<1x128xf32>
    %mul3A_85 = vector.broadcast %slice3A_84 : vector<1x128xf32> to vector<2000x128xf32>
    %mul3A_86 = arith.mulf %mul3A_85, %max3A_71 : vector<2000x128xf32>
    %add3A_87 = arith.addf %mul3A_83, %mul3A_86 : vector<2000x128xf32>
    %get3A_88 = arith.constant 0 : index
    %get3A_89 = arith.constant 0 : index
    %get3A_90 = vector.load %arg12[%get3A_88, %get3A_89] : memref<128x128xf32, #tpu.memory_space<vmem>>, vector<128x128xf32>
    %dot_general3A_91 = arith.constant dense<0.000000e+00> : vector<2000x128xf32>
    %dot_general3A_92 = tpu.matmul %add3A_87, %get3A_90, %dot_general3A_91 {dimension_numbers = #tpu.dot_dimension_numbers<[1], [1], [0], [0], [0, 0, 1, 0], [], []>, transpose_lhs_hint = false} : vector<2000x128xf32>, vector<128x128xf32>, vector<2000x128xf32> -> vector<2000x128xf32>
    %get3A_93 = arith.constant 0 : index
    %get3A_94 = arith.constant 0 : index
    %get3A_95 = vector.load %arg17[%get3A_93, %get3A_94] : memref<1x128xf32, #tpu.memory_space<vmem>>, vector<1x128xf32>
    %add3A_96 = vector.broadcast %get3A_95 : vector<1x128xf32> to vector<2000x128xf32>
    %add3A_97 = arith.addf %dot_general3A_92, %add3A_96 : vector<2000x128xf32>
    %swap3A = arith.constant 0 : index
    %swap3A_98 = arith.constant 0 : index
    %swap3A_99 = vector.load %arg18[%swap3A, %swap3A_98] : memref<2000x128xf32, #tpu.memory_space<vmem>>, vector<2000x128xf32>
    tpu.vector_store %arg18[%swap3A, %swap3A_98], %add3A_97 {strides = array<i32>} : memref<2000x128xf32, #tpu.memory_space<vmem>>, vector<2000x128xf32>,
    return
  }
  func.func @transform_0(%arg0: i32) -> (i32, i32) {
    %c0_i32 = arith.constant 0 : i32
    %c0_i32_0 = arith.constant 0 : i32
    return %arg0, %c0_i32 : i32, i32
  }
  func.func @transform_1(%arg0: i32) -> (i32, i32) {
    %c0_i32 = arith.constant 0 : i32
    %c0_i32_0 = arith.constant 0 : i32
    return %arg0, %c0_i32 : i32, i32
  }
  func.func @transform_2(%arg0: i32) -> (i32, i32) {
    %c0_i32 = arith.constant 0 : i32
    %c0_i32_0 = arith.constant 0 : i32
    return %arg0, %c0_i32 : i32, i32
  }
  func.func @transform_3(%arg0: i32) -> (i32, i32) {
    %c0_i32 = arith.constant 0 : i32
    %c0_i32_0 = arith.constant 0 : i32
    return %arg0, %c0_i32 : i32, i32
  }
  func.func @transform_4(%arg0: i32) -> (i32, i32) {
    %c0_i32 = arith.constant 0 : i32
    %c0_i32_0 = arith.constant 0 : i32
    %c0_i32_1 = arith.constant 0 : i32
    return %c0_i32, %c0_i32_0 : i32, i32
  }
  func.func @transform_5(%arg0: i32) -> (i32, i32) {
    %c0_i32 = arith.constant 0 : i32
    %c0_i32_0 = arith.constant 0 : i32
    %c0_i32_1 = arith.constant 0 : i32
    return %c0_i32, %c0_i32_0 : i32, i32
  }
  func.func @transform_6(%arg0: i32) -> (i32, i32) {
    %c0_i32 = arith.constant 0 : i32
    %c0_i32_0 = arith.constant 0 : i32
    %c0_i32_1 = arith.constant 0 : i32
    return %c0_i32, %c0_i32_0 : i32, i32
  }
  func.func @transform_7(%arg0: i32) -> (i32, i32) {
    %c0_i32 = arith.constant 0 : i32
    %c0_i32_0 = arith.constant 0 : i32
    %c0_i32_1 = arith.constant 0 : i32
    return %c0_i32, %c0_i32_0 : i32, i32
  }
  func.func @transform_8(%arg0: i32) -> (i32, i32) {
    %c0_i32 = arith.constant 0 : i32
    %c0_i32_0 = arith.constant 0 : i32
    %c0_i32_1 = arith.constant 0 : i32
    return %c0_i32, %c0_i32_0 : i32, i32
  }
  func.func @transform_9(%arg0: i32) -> (i32, i32) {
    %c0_i32 = arith.constant 0 : i32
    %c0_i32_0 = arith.constant 0 : i32
    %c0_i32_1 = arith.constant 0 : i32
    return %c0_i32, %c0_i32_0 : i32, i32
  }
  func.func @transform_10(%arg0: i32) -> (i32, i32) {
    %c0_i32 = arith.constant 0 : i32
    %c0_i32_0 = arith.constant 0 : i32
    %c0_i32_1 = arith.constant 0 : i32
    return %c0_i32, %c0_i32_0 : i32, i32
  }
  func.func @transform_11(%arg0: i32) -> (i32, i32) {
    %c0_i32 = arith.constant 0 : i32
    %c0_i32_0 = arith.constant 0 : i32
    %c0_i32_1 = arith.constant 0 : i32
    return %c0_i32, %c0_i32_0 : i32, i32
  }
  func.func @transform_12(%arg0: i32) -> (i32, i32) {
    %c0_i32 = arith.constant 0 : i32
    %c0_i32_0 = arith.constant 0 : i32
    %c0_i32_1 = arith.constant 0 : i32
    return %c0_i32, %c0_i32_0 : i32, i32
  }
  func.func @transform_13(%arg0: i32) -> (i32, i32) {
    %c0_i32 = arith.constant 0 : i32
    %c0_i32_0 = arith.constant 0 : i32
    %c0_i32_1 = arith.constant 0 : i32
    return %c0_i32, %c0_i32_0 : i32, i32
  }
  func.func @transform_14(%arg0: i32) -> (i32, i32) {
    %c0_i32 = arith.constant 0 : i32
    %c0_i32_0 = arith.constant 0 : i32
    %c0_i32_1 = arith.constant 0 : i32
    return %c0_i32, %c0_i32_0 : i32, i32
  }
  func.func @transform_15(%arg0: i32) -> (i32, i32) {
    %c0_i32 = arith.constant 0 : i32
    %c0_i32_0 = arith.constant 0 : i32
    %c0_i32_1 = arith.constant 0 : i32
    return %c0_i32, %c0_i32_0 : i32, i32
  }
  func.func @transform_16(%arg0: i32) -> (i32, i32) {
    %c0_i32 = arith.constant 0 : i32
    %c0_i32_0 = arith.constant 0 : i32
    %c0_i32_1 = arith.constant 0 : i32
    return %c0_i32, %c0_i32_0 : i32, i32
  }
  func.func @transform_17(%arg0: i32) -> (i32, i32) {
    %c0_i32 = arith.constant 0 : i32
    %c0_i32_0 = arith.constant 0 : i32
    return %arg0, %c0_i32 : i32, i32
  }
}

</mosaic_0001>

<sc_bundles>
// kernel: kernel.4.cloned.1.call-start
scs
__scs_entry_jumppad:
0x0: {  	(pc) =	sbr.rel $0x88, $3  }
0x1: {  	(tag) =	ssettag $0x0;
	lr =	simm.s32 $0x1  }
0x2: {  	[smem:$0x3F8E] =	sst lr;
	_ =	strace $0xD0000000  }
0x3: {  	_ = 	snop  }
0x4: {  	_ = 	snop  }
0x5: {  	_ = 	snop  }
0x6: {  	_ = 	snop  }
0x7: {  	_ = 	snop  }
__scs_overlays_trampoline_lowered:
0x8: {  	[smem:$0x3F9D] =	sst s0  }
0x9: {  	[smem:$0x3F9E] =	sst s1  }
0xa: {  	[smem:$0x3F9F] =	sst s2  }
0xb: {  	[smem:$0x3FA0] =	sst s3  }
0xc: {  	[smem:$0x3FA1] =	sst s4  }
0xd: {  	[smem:$0x3FA2] =	sst s5  }
0xe: {  	[smem:$0x3FA3] =	sst s6  }
0xf: {  	[smem:$0x3FA4] =	sst s7  }
0x10: {  	[smem:$0x3FA5] =	sst s8  }
0x11: {  	[smem:$0x3FA6] =	sst s9;
	s0 =	simm.s32 @!p0 $0x0  }
0x12: {  	s1 =	sld [smem:$0x3F8C];
	s0 =	simm.s32 @p0 $0x1  }
0x13: {  	[smem:$0x3FA7] =	sst s0;
	s0 =	simm.s32 @!p1 $0x0  }
0x14: {  	s2 =	sld [smem:$0x3F8B];
	s0 =	simm.s32 @p1 $0x1  }
0x15: {  	[smem:$0x3FA8] =	sst s0;
	s0 =	simm.s32 @!p2 $0x0  }
0x16: {  	s3 =	sld [smem:$0x3FDB];
	s0 =	simm.s32 @p2 $0x1  }
0x17: {  	s4 =	simm.s32 $0x1BF5;
	[smem:$0x3FAA] =	sst s0  }
0x18: {  	s0 =	sld [smem:$0x3F8D];
	_ =	swait.ge [sflag:s4], $0x0  }
0x19: {  	s7 =	sld [smem:$0x3F8E]  }
0x1a: {  	s8 =	sadd.s32 $0xFFFFE003, lr  }
0x1b: {  	s9 =	sadd.s32 $0xFFFFFEF7, lr;
	s5 =	simm.s32 $0xFFFFFFFF;
	p2 =	slt.u32 s8, $0xFFFFF086  }
0x1c: {  	p1 =	slt.u32 s9, $0xF7A;
	s5 =	simm.s32 @!p2 $0x0  }
0x1d: {  	s5 =	simm.s32 @p1 $0x1;
	p0 =	seq.s32 s7, s2  }
0x1e: {  	s7 =	smul.u32 @!p0 $0xF7A, s2;
	p2 =	seq.s32 @!p0 s5, $0x0  }
0x1f: {  	s9 =	smul.u32 $0xF7A, s1;
	s8 =	simm.s32 @!p0 $0x1BF5;
	p2 =	por !p2, p0  }
0x20: {  	[sflag:s8] =	ssyncset.s32 @!p0 $0xFFFFF086;
	s6 =	sadd.s32 @!p0 s3, s7;
	s7 =	simm.s32 @!p0 $0x108  }
0x21: {  	s3 =	sadd.s32 s3, s9;
	s6 =	sadd.s32 @!p0 $0x88, s6;
	s7 =	simm.s32 @p2 $0x1082  }
0x22: {  	[simem:s7], [sflag:s8] =	dma.local @!p0 [hbm:s6], $0xF7A  }
0x23: {  	s9 =	sor.u32 $0xD0000000, s2;
	s6 =	simm.s32 $0x108;
	_ =	swait.ge @!p0 [sflag:s8], $0x0  }
0x24: {  	s3 =	sadd.s32 $0x88, s3;
	s6 =	simm.s32 @!p1 $0x1082;
	[sflag:s4] =	ssyncset.s32 $0xFFFFF086  }
0x25: {  	[simem:s6], [sflag:s4] =	dma.local [hbm:s3], $0xF7A  }
0x26: {  	[smem:$0x3F8E] =	sst s1;
	(tag) =	ssettag s2;
	_ =	strace s9  }
0x27: {  	s1 =	sld [smem:$0x3F9E]  }
0x28: {  	s2 =	sld [smem:$0x3F9F]  }
0x29: {  	s4 =	sld [smem:$0x3FA1]  }
0x2a: {  	p0 =	seq.s32 s5, $0x0;
	s5 =	sld [smem:$0x3FA2]  }
0x2b: {  	s6 =	sld [smem:$0x3FA3]  }
0x2c: {  	s7 =	sld [smem:$0x3FA4]  }
0x2d: {  	s3 =	simm.s32 $0x108;
	s8 =	sld [smem:$0x3FA5]  }
0x2e: {  	s3 =	simm.s32 @!p0 $0x1082;
	s9 =	sld [smem:$0x3FA6]  }
0x2f: {  	lr =	sadd.s32 s0, s3;
	s0 =	sld [smem:$0x3F9D]  }
0x30: {  	s3 =	sld [smem:$0x3FA0]  }
0x31: {  	[smem:$0x3FA9] =	sst s10  }
0x32: {  	s10 =	sld [smem:$0x3FA7];
	_ =	sdelay $0x3  }
0x33: {  	p0 =	seq.s32 s10, $0x1;
	s10 =	sld [smem:$0x3FA9];
	_ =	sdelay $0x3  }
0x34: {  	[smem:$0x3FA9] =	sst s10  }
0x35: {  	s10 =	sld [smem:$0x3FA8];
	_ =	sdelay $0x3  }
0x36: {  	p1 =	seq.s32 s10, $0x1;
	s10 =	sld [smem:$0x3FA9];
	_ =	sdelay $0x3  }
0x37: {  	[smem:$0x3FA9] =	sst s10  }
0x38: {  	s10 =	sld [smem:$0x3FAA]  }
0x39: {  	_ = 	snop;
	(pc) =	sbr.ind lr, $3  }
0x3a: {  	_ = 	snop  }
0x3b: {  	_ = 	snop  }
0x3c: {  	p2 =	seq.s32 s10, $0x1;
	s10 =	sld [smem:$0x3FA9]  }
0x3d: {  	_ =	shalt  }
0x3e: {  	_ =	shalt  }
0x3f: {  	_ =	shalt  }
0x40: {  	_ =	shalt  }
0x41: {  	_ =	shalt  }
0x42: {  	_ =	shalt  }
0x43: {  	_ =	shalt  }
0x44: {  	_ =	shalt  }
0x45: {  	_ =	shalt  }
0x46: {  	_ =	shalt  }
0x47: {  	_ =	shalt  }
0x48: {  	_ =	shalt  }
0x49: {  	_ =	shalt  }
0x4a: {  	_ =	shalt  }
0x4b: {  	_ =	shalt  }
0x4c: {  	_ =	shalt  }
0x4d: {  	_ =	shalt  }
0x4e: {  	_ =	shalt  }
0x4f: {  	_ =	shalt  }
0x50: {  	_ =	shalt  }
0x51: {  	_ =	shalt  }
0x52: {  	_ =	shalt  }
0x53: {  	_ =	shalt  }
0x54: {  	_ =	shalt  }
0x55: {  	_ =	shalt  }
0x56: {  	_ =	shalt  }
0x57: {  	_ =	shalt  }
0x58: {  	_ =	shalt  }
0x59: {  	_ =	shalt  }
0x5a: {  	_ =	shalt  }
0x5b: {  	_ =	shalt  }
0x5c: {  	_ =	shalt  }
0x5d: {  	_ =	shalt  }
0x5e: {  	_ =	shalt  }
0x5f: {  	_ =	shalt  }
0x60: {  	_ =	shalt  }
0x61: {  	_ =	shalt  }
0x62: {  	_ =	shalt  }
0x63: {  	_ =	shalt  }
0x64: {  	_ =	shalt  }
0x65: {  	_ =	shalt  }
0x66: {  	_ =	shalt  }
0x67: {  	_ =	shalt  }
0x68: {  	_ =	shalt  }
0x69: {  	_ =	shalt  }
0x6a: {  	_ =	shalt  }
0x6b: {  	_ =	shalt  }
0x6c: {  	_ =	shalt  }
0x6d: {  	_ =	shalt  }
0x6e: {  	_ =	shalt  }
0x6f: {  	_ =	shalt  }
0x70: {  	_ =	shalt  }
0x71: {  	_ =	shalt  }
0x72: {  	_ =	shalt  }
0x73: {  	_ =	shalt  }
0x74: {  	_ =	shalt  }
0x75: {  	_ =	shalt  }
0x76: {  	_ =	shalt  }
0x77: {  	_ =	shalt  }
0x78: {  	_ =	shalt  }
0x79: {  	_ =	shalt  }
0x7a: {  	_ =	shalt  }
0x7b: {  	_ =	shalt  }
0x7c: {  	_ =	shalt  }
0x7d: {  	_ =	shalt  }
0x7e: {  	_ =	shalt  }
0x7f: {  	_ =	shalt  }
0x80: {  	_ =	shalt  }
0x81: {  	_ =	shalt  }
0x82: {  	_ =	shalt  }
0x83: {  	_ =	shalt  }
0x84: {  	_ =	shalt  }
0x85: {  	_ =	shalt  }
0x86: {  	_ =	shalt  }
0x87: {  	_ =	shalt  }
.Lfunc_end0:
.L_simem_size_0:
called_computation_lowered:
.L_overlay_start_0:
0x88: {  	s2 =	sld [smem:$0x3FD9]  }
0x89: {  	s3 =	sld [smem:$0x3FFE];
	_ =	sdelay $0x1  }
0x8a: {  	s1 =	srdreg.scid  }
0x8b: {  	s0 =	sand.u32 $0x1, s1  }
0x8c: {  	s17 =	sshll.u32 s0, $0xA;
	s2 =	sadd.s32 s3, s2  }
0x8d: {  	s2 =	sadd.s32 s2, s17  }
0x8e: {  	[smem:$0x3FB5] =	sst s2  }
0x8f: {  	_ = 	snop  }
0x90: {  	s2 =	sld [smem:$0x3FC9]  }
0x91: {  	s18 =	sld [smem:$0x3FD0];
	(tm) =	ssettm $0x1  }
0x92: {  	s4 =	sld [smem:$0x3FFB];
	_ =	sdelay $0x3  }
0x93: {  	_ =	strace s4  }
0x94: {  	s4 =	sld [smem:$0x3FFC];
	_ =	sdelay $0x3  }
0x95: {  	_ =	strace s4  }
0x96: {  	s4 =	sld [smem:$0x3FFD];
	_ =	sdelay $0x3  }
0x97: {  	_ =	strace s4  }
0x98: {  	_ =	strace $0x8FFFFFFF  }
0x99: {  	s19 =	sld [smem:$0x3FDB];
	_ =	sdelay $0x1  }
0x9a: {  	s5 =	simm.s32 $_scs_section_size  }
0x9b: {  	s6 =	simm.s32 $_size__tile_overlayer_lowered;
	s7 =	simm.s32 $_tile_overlayer_lowered  }
0x9c: {  	s22 =	simm.s32 $0x1BFF;
	s21 =	sshll.u32 s7, $0x1;
	s4 =	sadd.s32 s5, s19  }
0x9d: {  	s8 =	simm.s32 $0x0;
	s20 =	sshll.u32 s6, $0x1;
	s6 =	sadd.s32 s21, s4  }
0x9e: {  	[timem:s8], [sflag:s22] =	dma.local [hbm:s6], s20  }
0x9f: {  	_ =	swait.ge [sflag:s22], s20  }
0xa0: {  	s5 =	ssub.s32 $0x0, s20;
	[sflag:s22] =	ssyncset.done $0x0  }
0xa1: {  	[sflag:s22] =	ssyncadd.s32 s5;
	_ =	sdelay $0x1  }
0xa2: {  	s23 =	simm.s32 $0x1B8B  }
0xa3: {  	_ =	swait.ge [sflag:s23], $0x1  }
0xa4: {  	[sflag:s23] =	ssyncset.done $0x0  }
0xa5: {  	s25 =	simm.s32 $0x1B8E;
	s24 =	sld [smem:$0x3FFE];
	[sflag:s23] =	ssyncadd.s32 $0xFFFFFFFF  }
0xa6: {  	s26 =	simm.s32 $execute0_lowered;
	[smem:$0x3FD2] =	sst s25  }
0xa7: {  	s6 =	sshll.u32 s26, $0x1;
	_ =	strace $0x80000046;
	[dreg:$0x1] =	wrdreg $0xFFFFFFFF  }
0xa8: {  	s28 =	simm.s32 $_size_execute0_lowered;
	s4 =	sadd.s32 s4, s6;
	[dreg:$0x0] =	wrdreg $0x0  }
0xa9: {  	s6 =	sshll.u32 s28, $0x1;
	[dreg:$0x2] =	wrdreg s4  }
0xaa: {  	[dreg:$0x3] =	wrdreg s6  }
0xab: {  	[dreg:$0x4] =	wrdreg $0xC0  }
0xac: {  	_ =	task [dreg:s8], $0x5FFFF  }
0xad: {  	[dreg:$0x1] =	wrdreg $0xFFFFFFFF  }
0xae: {  	[dreg:$0x0] =	wrdreg $0x60  }
0xaf: {  	[dreg:$0x2] =	wrdreg s2  }
0xb0: {  	[dreg:$0x3] =	wrdreg s24  }
0xb1: {  	[dreg:$0x4] =	wrdreg s18  }
0xb2: {  	[dreg:$0x5] =	wrdreg $0x7B800  }
0xb3: {  	[dreg:$0x6] =	wrdreg $0x9  }
0xb4: {  	_ =	task.clear_ibuf [dreg:s8], $0x7FFFF;
	_ =	strace $0x90000046  }
0xb5: {  	s29 =	simm.s32 $0x9;
	_ =	strace $0x80000048  }
0xb6: {  	_ =	swait.ge [sflag:s29], $0x1  }
0xb7: {  	[sflag:s29] =	ssyncadd.s32 $0xFFFFFFFF  }
0xb8: {  	_ =	strace $0x90000048  }
0xb9: {  	_ =	sfence  }
0xba: {  	s30 =	sld [smem:$0x0];
	_ =	sdelay $0x2  }
0xbb: {  	s31 =	sshll.u32 s1, $0xD;
	s1 =	sshrl.u32 s1, $0x2  }
0xbc: {  	s3 =	sand.u32 $0x4000, s31;
	s1 =	sadd.s32 s1, s30  }
0xbd: {  	s0 =	sor.u32 s3, s0;
	s1 =	sshll.u32 s1, $0x11  }
0xbe: {  	s0 =	sor.u32 s1, s0  }
0xbf: {  	s0 =	sadd.s32 $0x8F2B, s0  }
0xc0: {  	[sflag:s0] =	ssyncadd.remote.s32 $0x1  }
0xc1: {  	_ =	sfence.sel $0xFFFF  }
0xc2: {  	[dreg:$0x0] =	wrdreg $0xFFFFFFFF;
	(pc) =	sbr.abs _section_cstart, $3  }
0xc3: {  	[dreg:$0x1] =	wrdreg $0xFFFFFFFF  }
0xc4: {  	_ =	task.clear_ibuf [dreg:s8], $0x2FFFF;
	_ =	strace $0x9FFFFFFF  }
0xc5: {  	(tm) =	ssettm $0x7FFFFFFF  }
tec
execute0_lowered:
.L_overlay_start_1:
0x0: {  	(tag) =	ssettag $0x1  }
0x1: {  	s1 =	rddreg [dreg:$0x0]  }
0x2: {  	s0 =	rddreg [dreg:$0x1]  }
0x3: {  	s3 =	rddreg [dreg:$0x2]  }
0x4: {  	s2 =	rddreg [dreg:$0x3]  }
0x5: {  	s4 =	srdreg.scid;
	s13 =	stileid.u32  }
0x6: {  	s28 =	simm.s32 $0x400;
	s29 =	simm.s32 $0x200;
	s30 =	simm.s32 $0x2  }
0x7: {  	s31 =	simm.s32 $0x2C00;
	s6 =	sand.u32 $0x1, s4;
	s9 =	smul.u32 $0x4E000, s13  }
0x8: {  	s4 =	simm.s32 $0x0;
	s15 =	sadd.s32 $0x2CA00, s0;
	s12 =	smul.u32 $0x2700, s13  }
0x9: {  	s16 =	sadd.s32 $0x53C00, s0;
	s11 =	sshll.u32 s13, $0x6;
	s14 =	smul.u32 $0x7D00, s13  }
0xa: {  	p0 =	sne.s32 s13, $0xF;
	p2 =	seq.s32 s13, $0xF;
	s5 =	sshll.u32 s6, $0x4  }
0xb: {  	[smem:$0x7FF] =	sst s4;
	s24 =	ssub.s32 $0x2, s6;
	s25 =	smul.u32 $0x7D000, s6  }
0xc: {  	p1 =	sne.s32 s6, $0x0;
	s6 =	simm.s32 $0x300;
	s7 =	sor.u32 s13, s5  }
0xd: {  	_ =	strace $0x80000047;
	s5 =	sadd.s32 $0x3800, s0;
	s10 =	sshrl.u32 s24, $0x1  }
0xe: {  	s9 =	sshrl.u32 s9, $0x2;
	s26 =	sadd.s32 s3, s12;
	[dreg:$0x9] =	wrdreg s16  }
0xf: {  	s3 =	sadd.s32 $0x27000, s3;
	s21 =	sadd.s32 s16, s12;
	[dreg:$0x8] =	wrdreg s15  }
0x10: {  	s12 =	sadd.s32 s15, s12;
	s15 =	simm.s32 $0x380;
	[dreg:$0xb] =	wrdreg s26  }
0x11: {  	s16 =	simm.s32 $0x9;
	s8 =	smul.u32 $0x4E2, s7;
	[dreg:$0xc] =	wrdreg s3  }
0x12: {  	s7 =	smul.u32 $0x7D00, s7;
	s9 =	sadd.s32 s9, s2;
	[dreg:$0x12] =	wrdreg s21  }
0x13: {  	s3 =	sadd.s32 s14, s25;
	[dreg:$0x13] =	wrdreg s12;
	s12 =	simm.s32 $0x8  }
0x14: {  	[dreg:$0xa] =	wrdreg s9;
	s18 =	sadd.s32 $0x500, s3;
	s22 =	sadd.s32 $0x300, s3  }
0x15: {  	s0 =	sadd.s32 s8, s0;
	s8 =	ssub.s32 s24, s10;
	s10 =	sor.u32 $0x1C05, s11  }
0x16: {  	s11 =	sadd.s32 $0x138000, s2;
	s7 =	sshrl.u32 s7, $0x3;
	s23 =	sshrl.u32 s22, $0x3  }
0x17: {  	s24 =	sadd.s32 $0x200, s3;
	s3 =	sadd.s32 $0x400, s3;
	s17 =	sadd.s32 s5, s7  }
0x18: {  	s9 =	sshrl.u32 s24, $0x3;
	s0 =	sadd.s32 $0x22C00, s0;
	[dreg:$0x16] =	wrdreg s3  }
0x19: {  	s26 =	smax.u32 s8, $0x1;
	s24 =	simm.s32 $0x100;
	[dreg:$0xd] =	wrdreg s17  }
0x1a: {  	s3 =	simm.s32 $0x5400;
	s8 =	simm.s32 $0x180;
	[dreg:$0x14] =	wrdreg s0  }
0x1b: {  	s7 =	sadd.s32 $0x20, s17;
	s14 =	sadd.s32 $0xF40, s17;
	[dreg:$0x15] =	wrdreg s26  }
0x1c: {  	s19 =	sadd.s32 $0xF60, s17;
	s20 =	sadd.s32 $0xF80, s17;
	[dreg:$0xe] =	wrdreg s7  }
0x1d: {  	s25 =	sadd.s32 s9, s5;
	s26 =	simm.s32 $0x50;
	[dreg:$0xf] =	wrdreg s14  }
0x1e: {  	s0 =	simm.s32 $0x80;
	s9 =	simm.s32 $0x4;
	[dreg:$0x10] =	wrdreg s19  }
.Ltmp0:
0x1f: {  	s17 =	simm.s32 $0x0;
	[dreg:$0x11] =	wrdreg s20;
	(pc) =	sbr.rel .LBB2_1-.Ltmp0, $4  }
0x20: {  	s7 =	sshrl.u32 s18, $0x3;
	[dreg:$0x7] =	wrdreg s25;
	s25 =	simm.s32 $0x1  }
0x21: {  	s18 =	simm.s32 $0x7;
	s19 =	simm.s32 $0x6;
	s7 =	sadd.s32 s7, s5  }
0x22: {  	s14 =	simm.s32 $0x280;
	[dreg:$0x5] =	wrdreg s7;
	s7 =	sadd.s32 s23, s5  }
0x23: {  	v0 =	vimm.f32 $0.0e+00;
	v1 =	vimm.f32 $1.000000000e+00;
	s23 =	simm.s32 $0x5;
	[dreg:$0x6] =	wrdreg s7;
	s7 =	simm.s32 $0x3  }
.LBB2_8:
0x24: {  	s13 =	sadd.s32 $0x27000, s20;
	s22 =	sshrl.u32 s11, $0x3  }
0x25: {  	[hbm:s13], [sflag:s10] =	dma.local [spmem:s22], $0x100  }
.LBB2_9:
0x26: {  	s13 =	rddreg [dreg:$0x14]  }
0x27: {  	[hbm4b:s13+s4] =	stream.linear.scatter [tilespmem:s3], [sflag:$0x9], $0x2710, $0x38;
	[tilespmem:$0x1B400] =	vst v63  }
0x28: {  	_ =	swait.ge [sflag:s16], $0x2710  }
0x29: {  	[sflag:s16] =	ssyncset.done $0x0  }
0x2a: {  	[sflag:s16] =	ssyncadd.s32 $0xFFFFD8F0  }
0x2b: {  	_ =	swait.ge [sflag:s23], $0x2700  }
0x2c: {  	[sflag:s23] =	ssyncset.done $0x0  }
0x2d: {  	s13 =	simm.s32 @!p0 $0x5;
	[sflag:s23] =	ssyncadd.s32 $0xFFFFD900  }
0x2e: {  	_ =	swait.ge @!p0 [sflag:s13], $0x100  }
0x2f: {  	s17 =	sadd.s32 $0x1, s17;
	s20 =	rddreg [dreg:$0x15]  }
0x30: {  	p3 =	sne.s32 s17, s20  }
.Ltmp1:
0x31: {  	_ = 	snop;
	(pc) =	sbr.rel @!p3 .LBB2_10-.Ltmp1, $3  }
0x32: {  	_ =	sdelay $0x1  }
0x33: {  	[sflag:s13] =	ssyncset.done @!p0 $0x0  }
0x34: {  	[sflag:s13] =	ssyncadd.s32 @!p0 $0xFFFFFF00  }
.LBB2_1:
0x35: {  	s13 =	rddreg [dreg:$0xa]  }
0x36: {  	s22 =	rddreg [dreg:$0xb];
	s20 =	sshrl.u32 s13, $0x3  }
0x37: {  	[spmem:s20], [sflag:s10] =	dma.local [hbm:s22], $0x2700  }
0x38: {  	s21 =	sshrl.u32 @!p0 s11, $0x3;
	s13 =	rddreg [dreg:$0xc]  }
0x39: {  	[spmem:s21], [sflag:s10] =	dma.local @!p0 [hbm:s13], $0x100  }
0x3a: {  	s22 =	simm.s32 $0x0;
	s21 =	simm.s32 $0x40  }
.LBB2_2:
0x3b: {  	p3 =	sne.s32 s21, $0x9C00;
	[tilespmem:s22+$0x5400] =	vst v0;
	s22 =	smov.u32 s21;
	s21 =	sadd.s32 $0x40, s21  }
.Ltmp2:
0x3c: {  	(pc) =	sbr.rel @p3 .LBB2_2-.Ltmp2, $2  }
0x3d: {  	_ =	sdelay $0x2  }
0x3e: {  	s22 =	sshra.s32 s22, $0x2  }
0x3f: {  	[tilespmem:s22+$0x5400] =	vst v0  }
0x40: {  	_ =	swait.ge [sflag:s23], $0x2700  }
0x41: {  	[sflag:s23] =	ssyncset.done $0x0  }
0x42: {  	s21 =	simm.s32 @!p0 $0x5;
	[sflag:s23] =	ssyncadd.s32 $0xFFFFD900  }
0x43: {  	_ =	swait.ge @!p0 [sflag:s21], $0x100  }
0x44: {  	[sflag:s21] =	ssyncset.done @!p0 $0x0  }
0x45: {  	s13 =	rddreg [dreg:$0xd];
	[sflag:s21] =	ssyncadd.s32 @!p0 $0xFFFFFF00;
	s21 =	simm.s32 $0x0  }
0x46: {  	[tilespmem:s21], [sflag:$0x1] =	stream.linear.gather [hbm4b:s13+s21], $0x100, $0x38;
	[tilespmem:$0x1B400] =	vst v63  }
0x47: {  	s22 =	rddreg [dreg:$0xe]  }
0x48: {  	[tilespmem:s24], [sflag:$0x2] =	stream.linear.gather [hbm4b:s22+s21], $0x100, $0x38;
	[tilespmem:$0x1B400] =	vst v63  }
0x49: {  	_ =	swait.ge [sflag:s25], $0x100  }
0x4a: {  	[sflag:s25] =	ssyncset.done $0x0  }
0x4b: {  	[sflag:s25] =	ssyncadd.s32 $0xFFFFFF00  }
0x4c: {  	[tilespmem:s28], [sflag:$0x5] =	stream.indirect.gather [hbm4b:s1+s26], $0x80, s21, s26, $0xb8;
	[tilespmem:$0x1B400] =	vst v63  }
0x4d: {  	[bflag:$0x0] =	sbarrier.arrive $0xFFFF  }
0x4e: {  	s22 =	rddreg [dreg:$0x16]  }
.LBB2_4:
0x4f: {  	s13 =	rddreg [dreg:$0x7]  }
0x50: {  	s13 =	sadd.s32 s21, s13  }
0x51: {  	[tilespmem:s29], [sflag:$0x3] =	stream.linear.gather [hbm4b:s13+s4], $0x100, $0x38;
	[tilespmem:$0x1B400] =	vst v63  }
0x52: {  	_ =	swait.ge [sflag:s30], $0x100  }
0x53: {  	p3 =	seq.s32 s21, $0x0;
	[sflag:s30] =	ssyncset.done $0x0  }
0x54: {  	s13 =	simm.s32 @!p3 $0x8;
	[sflag:s30] =	ssyncadd.s32 $0xFFFFFF00  }
0x55: {  	_ =	swait.ge @!p3 [sflag:s13], $0x2800  }
0x56: {  	[sflag:s13] =	ssyncset.done @!p3 $0x0  }
0x57: {  	[sflag:s13] =	ssyncadd.s32 @!p3 $0xFFFFD800  }
0x58: {  	[tilespmem:s31], [sflag:$0x6] =	stream.indirect.gather [hbm4b:s1+s26], $0x80, s24, s26, $0xb8;
	[tilespmem:$0x1B400] =	vst v63  }
0x59: {  	_ =	swait.ge [sflag:s23], $0x2800  }
0x5a: {  	[sflag:s23] =	ssyncset.done $0x0  }
0x5b: {  	[sflag:s23] =	ssyncadd.s32 $0xFFFFD800  }
0x5c: {  	[spmem:s2] =	stream.indirect.scatter.add.f32 [tilespmem:s28], [sflag:$0x7], $0x80, s0, s26, $0xb8;
	[tilespmem:$0x1B400] =	vst v63  }
0x5d: {  	v2 =	vld [tilespmem:$0x80];
	_ =	sdelay $0x7  }
0x5e: {  	[tilespmem:v2+s3+$0x0] =	vst.idx.add.f32.msk $0xffff, v1  }
0x5f: {  	v2 =	vld [tilespmem:$0x90];
	_ =	sdelay $0x7  }
0x60: {  	[tilespmem:v2+s3+$0x0] =	vst.idx.add.f32.msk $0xffff, v1  }
0x61: {  	v2 =	vld [tilespmem:$0xA0];
	_ =	sdelay $0x7  }
0x62: {  	[tilespmem:v2+s3+$0x0] =	vst.idx.add.f32.msk $0xffff, v1  }
0x63: {  	v2 =	vld [tilespmem:$0xB0];
	_ =	sdelay $0x7  }
0x64: {  	[tilespmem:v2+s3+$0x0] =	vst.idx.add.f32.msk $0xffff, v1  }
0x65: {  	v2 =	vld [tilespmem:$0xC0];
	_ =	sdelay $0x6  }
0x66: {  	s13 =	rddreg [dreg:$0x6]  }
0x67: {  	s13 =	sadd.s32 s21, s13;
	[tilespmem:v2+s3+$0x0] =	vst.idx.add.f32.msk $0xffff, v1  }
0x68: {  	[tilespmem:s6], [sflag:$0x4] =	stream.linear.gather [hbm4b:s13+s4], $0x100, $0x38;
	[tilespmem:$0x1B400] =	vst v63  }
0x69: {  	_ =	swait.ge [sflag:s7], $0x100  }
0x6a: {  	[sflag:s7] =	ssyncset.done $0x0  }
0x6b: {  	[sflag:s7] =	ssyncadd.s32 $0xFFFFFF00  }
0x6c: {  	_ =	swait.ge [sflag:s18], $0x2800  }
0x6d: {  	[sflag:s18] =	ssyncset.done $0x0  }
0x6e: {  	[sflag:s18] =	ssyncadd.s32 $0xFFFFD800  }
0x6f: {  	[tilespmem:s28], [sflag:$0x5] =	stream.indirect.gather [hbm4b:s1+s26], $0x80, s29, s26, $0xb8;
	[tilespmem:$0x1B400] =	vst v63  }
0x70: {  	_ =	swait.ge [sflag:s19], $0x2800  }
0x71: {  	[sflag:s19] =	ssyncset.done $0x0  }
0x72: {  	[sflag:s19] =	ssyncadd.s32 $0xFFFFD800  }
0x73: {  	[spmem:s2] =	stream.indirect.scatter.add.f32 [tilespmem:s31], [sflag:$0x8], $0x80, s8, s26, $0xb8;
	[tilespmem:$0x1B400] =	vst v63  }
0x74: {  	v2 =	vld [tilespmem:$0x180];
	_ =	sdelay $0x7  }
0x75: {  	[tilespmem:v2+s3+$0x0] =	vst.idx.add.f32.msk $0xffff, v1  }
0x76: {  	v2 =	vld [tilespmem:$0x190];
	_ =	sdelay $0x7  }
0x77: {  	[tilespmem:v2+s3+$0x0] =	vst.idx.add.f32.msk $0xffff, v1  }
0x78: {  	v2 =	vld [tilespmem:$0x1A0];
	_ =	sdelay $0x7  }
0x79: {  	[tilespmem:v2+s3+$0x0] =	vst.idx.add.f32.msk $0xffff, v1  }
0x7a: {  	v2 =	vld [tilespmem:$0x1B0];
	_ =	sdelay $0x7  }
0x7b: {  	[tilespmem:v2+s3+$0x0] =	vst.idx.add.f32.msk $0xffff, v1  }
0x7c: {  	v2 =	vld [tilespmem:$0x1C0];
	_ =	sdelay $0x6  }
0x7d: {  	s13 =	sshrl.u32 s22, $0x3  }
0x7e: {  	s13 =	sadd.s32 s5, s13;
	[tilespmem:v2+s3+$0x0] =	vst.idx.add.f32.msk $0xffff, v1  }
0x7f: {  	[tilespmem:s4], [sflag:$0x1] =	stream.linear.gather [hbm4b:s13+s4], $0x100, $0x38;
	[tilespmem:$0x1B400] =	vst v63  }
0x80: {  	_ =	swait.ge [sflag:s9], $0x100  }
0x81: {  	[sflag:s9] =	ssyncset.done $0x0  }
0x82: {  	[sflag:s9] =	ssyncadd.s32 $0xFFFFFF00  }
0x83: {  	_ =	swait.ge [sflag:s12], $0x2800  }
0x84: {  	[sflag:s12] =	ssyncset.done $0x0  }
0x85: {  	[sflag:s12] =	ssyncadd.s32 $0xFFFFD800  }
0x86: {  	[tilespmem:s31], [sflag:$0x6] =	stream.indirect.gather [hbm4b:s1+s26], $0x80, s6, s26, $0xb8;
	[tilespmem:$0x1B400] =	vst v63  }
0x87: {  	_ =	swait.ge [sflag:s23], $0x2800  }
0x88: {  	[sflag:s23] =	ssyncset.done $0x0  }
0x89: {  	[sflag:s23] =	ssyncadd.s32 $0xFFFFD800  }
0x8a: {  	[spmem:s2] =	stream.indirect.scatter.add.f32 [tilespmem:s28], [sflag:$0x7], $0x80, s14, s26, $0xb8;
	[tilespmem:$0x1B400] =	vst v63  }
0x8b: {  	v2 =	vld [tilespmem:$0x280];
	_ =	sdelay $0x7  }
0x8c: {  	[tilespmem:v2+s3+$0x0] =	vst.idx.add.f32.msk $0xffff, v1  }
0x8d: {  	v2 =	vld [tilespmem:$0x290];
	_ =	sdelay $0x7  }
0x8e: {  	[tilespmem:v2+s3+$0x0] =	vst.idx.add.f32.msk $0xffff, v1  }
0x8f: {  	v2 =	vld [tilespmem:$0x2A0];
	_ =	sdelay $0x7  }
0x90: {  	[tilespmem:v2+s3+$0x0] =	vst.idx.add.f32.msk $0xffff, v1  }
0x91: {  	v2 =	vld [tilespmem:$0x2B0];
	_ =	sdelay $0x7  }
0x92: {  	[tilespmem:v2+s3+$0x0] =	vst.idx.add.f32.msk $0xffff, v1  }
0x93: {  	v2 =	vld [tilespmem:$0x2C0];
	_ =	sdelay $0x6  }
0x94: {  	s13 =	rddreg [dreg:$0x5]  }
0x95: {  	s13 =	sadd.s32 s21, s13;
	[tilespmem:v2+s3+$0x0] =	vst.idx.add.f32.msk $0xffff, v1  }
0x96: {  	[tilespmem:s24], [sflag:$0x2] =	stream.linear.gather [hbm4b:s13+s4], $0x100, $0x38;
	[tilespmem:$0x1B400] =	vst v63  }
0x97: {  	_ =	swait.ge [sflag:s25], $0x100  }
0x98: {  	[sflag:s25] =	ssyncset.done $0x0  }
0x99: {  	[sflag:s25] =	ssyncadd.s32 $0xFFFFFF00  }
0x9a: {  	_ =	swait.ge [sflag:s18], $0x2800  }
0x9b: {  	[sflag:s18] =	ssyncset.done $0x0  }
0x9c: {  	[sflag:s18] =	ssyncadd.s32 $0xFFFFD800  }
0x9d: {  	[tilespmem:s28], [sflag:$0x5] =	stream.indirect.gather [hbm4b:s1+s26], $0x80, s4, s26, $0xb8;
	[tilespmem:$0x1B400] =	vst v63  }
0x9e: {  	_ =	swait.ge [sflag:s19], $0x2800  }
0x9f: {  	[sflag:s19] =	ssyncset.done $0x0  }
0xa0: {  	[sflag:s19] =	ssyncadd.s32 $0xFFFFD800  }
0xa1: {  	[spmem:s2] =	stream.indirect.scatter.add.f32 [tilespmem:s31], [sflag:$0x8], $0x80, s15, s26, $0xb8;
	[tilespmem:$0x1B400] =	vst v63  }
0xa2: {  	v2 =	vld [tilespmem:$0x380];
	_ =	sdelay $0x7  }
0xa3: {  	[tilespmem:v2+s3+$0x0] =	vst.idx.add.f32.msk $0xffff, v1  }
0xa4: {  	v2 =	vld [tilespmem:$0x390];
	_ =	sdelay $0x7  }
0xa5: {  	[tilespmem:v2+s3+$0x0] =	vst.idx.add.f32.msk $0xffff, v1  }
0xa6: {  	v2 =	vld [tilespmem:$0x3A0];
	_ =	sdelay $0x7  }
0xa7: {  	[tilespmem:v2+s3+$0x0] =	vst.idx.add.f32.msk $0xffff, v1  }
0xa8: {  	v2 =	vld [tilespmem:$0x3B0];
	_ =	sdelay $0x7  }
0xa9: {  	[tilespmem:v2+s3+$0x0] =	vst.idx.add.f32.msk $0xffff, v1  }
0xaa: {  	v2 =	vld [tilespmem:$0x3C0];
	_ =	sdelay $0x1  }
0xab: {  	s21 =	sadd.s32 $0x80, s21  }
0xac: {  	p3 =	sne.s32 s21, $0xF00  }
.Ltmp3:
0xad: {  	_ = 	snop;
	(pc) =	sbr.rel @p3 .LBB2_4-.Ltmp3, $2  }
0xae: {  	_ =	sdelay $0x2  }
0xaf: {  	s22 =	sadd.s32 $0x400, s22;
	[tilespmem:v2+s3+$0x0] =	vst.idx.add.f32.msk $0xffff, v1  }
0xb0: {  	s13 =	rddreg [dreg:$0xf]  }
0xb1: {  	[tilespmem:s29], [sflag:$0x3] =	stream.linear.gather [hbm4b:s13+s4], $0x100, $0x38;
	[tilespmem:$0x1B400] =	vst v63  }
0xb2: {  	_ =	swait.ge [sflag:s30], $0x100  }
0xb3: {  	[sflag:s30] =	ssyncset.done $0x0  }
0xb4: {  	[sflag:s30] =	ssyncadd.s32 $0xFFFFFF00  }
0xb5: {  	_ =	swait.ge [sflag:s12], $0x2800  }
0xb6: {  	[sflag:s12] =	ssyncset.done $0x0  }
0xb7: {  	[sflag:s12] =	ssyncadd.s32 $0xFFFFD800  }
0xb8: {  	[tilespmem:s31], [sflag:$0x6] =	stream.indirect.gather [hbm4b:s1+s26], $0x80, s24, s26, $0xb8;
	[tilespmem:$0x1B400] =	vst v63  }
0xb9: {  	_ =	swait.ge [sflag:s23], $0x2800  }
0xba: {  	[sflag:s23] =	ssyncset.done $0x0  }
0xbb: {  	[sflag:s23] =	ssyncadd.s32 $0xFFFFD800  }
0xbc: {  	[spmem:s2] =	stream.indirect.scatter.add.f32 [tilespmem:s28], [sflag:$0x7], $0x80, s0, s26, $0xb8;
	[tilespmem:$0x1B400] =	vst v63  }
0xbd: {  	v2 =	vld [tilespmem:$0x80];
	_ =	sdelay $0x7  }
0xbe: {  	[tilespmem:v2+s3+$0x0] =	vst.idx.add.f32.msk $0xffff, v1  }
0xbf: {  	v2 =	vld [tilespmem:$0x90];
	_ =	sdelay $0x7  }
0xc0: {  	[tilespmem:v2+s3+$0x0] =	vst.idx.add.f32.msk $0xffff, v1  }
0xc1: {  	v2 =	vld [tilespmem:$0xA0];
	_ =	sdelay $0x7  }
0xc2: {  	[tilespmem:v2+s3+$0x0] =	vst.idx.add.f32.msk $0xffff, v1  }
0xc3: {  	v2 =	vld [tilespmem:$0xB0];
	_ =	sdelay $0x7  }
0xc4: {  	[tilespmem:v2+s3+$0x0] =	vst.idx.add.f32.msk $0xffff, v1  }
0xc5: {  	v2 =	vld [tilespmem:$0xC0];
	_ =	sdelay $0x7  }
0xc6: {  	s21 =	rddreg [dreg:$0x10];
	[tilespmem:v2+s3+$0x0] =	vst.idx.add.f32.msk $0xffff, v1  }
0xc7: {  	[tilespmem:s6], [sflag:$0x4] =	stream.linear.gather [hbm4b:s21+s4], $0x100, $0x38;
	[tilespmem:$0x1B400] =	vst v63  }
0xc8: {  	_ =	swait.ge [sflag:s7], $0x100  }
0xc9: {  	[sflag:s7] =	ssyncset.done $0x0  }
0xca: {  	[sflag:s7] =	ssyncadd.s32 $0xFFFFFF00  }
0xcb: {  	_ =	swait.ge [sflag:s18], $0x2800  }
0xcc: {  	[sflag:s18] =	ssyncset.done $0x0  }
0xcd: {  	[sflag:s18] =	ssyncadd.s32 $0xFFFFD800  }
0xce: {  	[tilespmem:s28], [sflag:$0x5] =	stream.indirect.gather [hbm4b:s1+s26], $0x80, s29, s26, $0xb8;
	[tilespmem:$0x1B400] =	vst v63  }
0xcf: {  	_ =	swait.ge [sflag:s19], $0x2800  }
0xd0: {  	[sflag:s19] =	ssyncset.done $0x0  }
0xd1: {  	[sflag:s19] =	ssyncadd.s32 $0xFFFFD800  }
0xd2: {  	[spmem:s2] =	stream.indirect.scatter.add.f32 [tilespmem:s31], [sflag:$0x8], $0x80, s8, s26, $0xb8;
	[tilespmem:$0x1B400] =	vst v63  }
0xd3: {  	v2 =	vld [tilespmem:$0x180];
	_ =	sdelay $0x7  }
0xd4: {  	[tilespmem:v2+s3+$0x0] =	vst.idx.add.f32.msk $0xffff, v1  }
0xd5: {  	v2 =	vld [tilespmem:$0x190];
	_ =	sdelay $0x7  }
0xd6: {  	[tilespmem:v2+s3+$0x0] =	vst.idx.add.f32.msk $0xffff, v1  }
0xd7: {  	v2 =	vld [tilespmem:$0x1A0];
	_ =	sdelay $0x7  }
0xd8: {  	[tilespmem:v2+s3+$0x0] =	vst.idx.add.f32.msk $0xffff, v1  }
0xd9: {  	v2 =	vld [tilespmem:$0x1B0];
	_ =	sdelay $0x7  }
0xda: {  	[tilespmem:v2+s3+$0x0] =	vst.idx.add.f32.msk $0xffff, v1  }
0xdb: {  	v2 =	vld [tilespmem:$0x1C0];
	_ =	sdelay $0x7  }
0xdc: {  	s22 =	rddreg [dreg:$0x11];
	[tilespmem:v2+s3+$0x0] =	vst.idx.add.f32.msk $0xffff, v1  }
0xdd: {  	[tilespmem:s4], [sflag:$0x1] =	stream.linear.gather [hbm4b:s22+s4], $0x100, $0x38;
	[tilespmem:$0x1B400] =	vst v63  }
0xde: {  	_ =	swait.ge [sflag:s9], $0x100  }
0xdf: {  	[sflag:s9] =	ssyncset.done $0x0  }
0xe0: {  	[sflag:s9] =	ssyncadd.s32 $0xFFFFFF00  }
0xe1: {  	_ =	swait.ge [sflag:s12], $0x2800  }
0xe2: {  	[sflag:s12] =	ssyncset.done $0x0  }
0xe3: {  	[sflag:s12] =	ssyncadd.s32 $0xFFFFD800  }
0xe4: {  	[tilespmem:s31], [sflag:$0x6] =	stream.indirect.gather [hbm4b:s1+s26], $0x80, s6, s26, $0xb8;
	[tilespmem:$0x1B400] =	vst v63  }
0xe5: {  	_ =	swait.ge [sflag:s23], $0x2800  }
0xe6: {  	[sflag:s23] =	ssyncset.done $0x0  }
0xe7: {  	[sflag:s23] =	ssyncadd.s32 $0xFFFFD800  }
0xe8: {  	[spmem:s2] =	stream.indirect.scatter.add.f32 [tilespmem:s28], [sflag:$0x7], $0x80, s14, s26, $0xb8;
	[tilespmem:$0x1B400] =	vst v63  }
0xe9: {  	v2 =	vld [tilespmem:$0x280];
	_ =	sdelay $0x7  }
0xea: {  	[tilespmem:v2+s3+$0x0] =	vst.idx.add.f32.msk $0xffff, v1  }
0xeb: {  	v2 =	vld [tilespmem:$0x290];
	_ =	sdelay $0x7  }
0xec: {  	[tilespmem:v2+s3+$0x0] =	vst.idx.add.f32.msk $0xffff, v1  }
0xed: {  	v2 =	vld [tilespmem:$0x2A0];
	_ =	sdelay $0x7  }
0xee: {  	[tilespmem:v2+s3+$0x0] =	vst.idx.add.f32.msk $0xffff, v1  }
0xef: {  	v2 =	vld [tilespmem:$0x2B0];
	_ =	sdelay $0x7  }
0xf0: {  	[tilespmem:v2+s3+$0x0] =	vst.idx.add.f32.msk $0xffff, v1  }
0xf1: {  	v2 =	vld [tilespmem:$0x2C0];
	_ =	sdelay $0x7  }
0xf2: {  	[tilespmem:v2+s3+$0x0] =	vst.idx.add.f32.msk $0xffff, v1  }
0xf3: {  	_ =	swait.ge [sflag:s25], $0x100  }
0xf4: {  	[sflag:s25] =	ssyncset.done $0x0  }
0xf5: {  	[sflag:s25] =	ssyncadd.s32 $0xFFFFFF00  }
0xf6: {  	_ =	swait.ge [sflag:s18], $0x2800  }
0xf7: {  	[sflag:s18] =	ssyncset.done $0x0  }
0xf8: {  	[sflag:s18] =	ssyncadd.s32 $0xFFFFD800  }
0xf9: {  	[tilespmem:s28], [sflag:$0x5] =	stream.indirect.gather [hbm4b:s1+s26], $0x80, s4, s26, $0xb8;
	[tilespmem:$0x1B400] =	vst v63  }
0xfa: {  	_ =	swait.ge [sflag:s19], $0x2800  }
0xfb: {  	[sflag:s19] =	ssyncset.done $0x0  }
0xfc: {  	[sflag:s19] =	ssyncadd.s32 $0xFFFFD800  }
0xfd: {  	[spmem:s2] =	stream.indirect.scatter.add.f32 [tilespmem:s31], [sflag:$0x8], $0x80, s15, s26, $0xb8;
	[tilespmem:$0x1B400] =	vst v63  }
0xfe: {  	v2 =	vld [tilespmem:$0x380];
	_ =	sdelay $0x7  }
0xff: {  	[tilespmem:v2+s3+$0x0] =	vst.idx.add.f32.msk $0xffff, v1  }
0x100: {  	v2 =	vld [tilespmem:$0x390];
	_ =	sdelay $0x7  }
0x101: {  	[tilespmem:v2+s3+$0x0] =	vst.idx.add.f32.msk $0xffff, v1  }
0x102: {  	v2 =	vld [tilespmem:$0x3A0];
	_ =	sdelay $0x7  }
0x103: {  	[tilespmem:v2+s3+$0x0] =	vst.idx.add.f32.msk $0xffff, v1  }
0x104: {  	v2 =	vld [tilespmem:$0x3B0];
	_ =	sdelay $0x7  }
0x105: {  	[tilespmem:v2+s3+$0x0] =	vst.idx.add.f32.msk $0xffff, v1  }
0x106: {  	v2 =	vld [tilespmem:$0x3C0];
	_ =	sdelay $0x7  }
0x107: {  	[tilespmem:v2+s3+$0x0] =	vst.idx.add.f32.msk $0xffff, v1  }
0x108: {  	_ =	swait.ge [sflag:s23], $0x2800  }
0x109: {  	[sflag:s23] =	ssyncset.done $0x0  }
0x10a: {  	[sflag:s23] =	ssyncadd.s32 $0xFFFFD800  }
0x10b: {  	[spmem:s2] =	stream.indirect.scatter.add.f32 [tilespmem:s28], [sflag:$0x7], $0x80, s0, s26, $0xb8;
	[tilespmem:$0x1B400] =	vst v63  }
0x10c: {  	v2 =	vld [tilespmem:$0x80];
	_ =	sdelay $0x7  }
0x10d: {  	[tilespmem:v2+s3+$0x0] =	vst.idx.add.f32.msk $0xffff, v1  }
0x10e: {  	v2 =	vld [tilespmem:$0x90];
	_ =	sdelay $0x7  }
0x10f: {  	[tilespmem:v2+s3+$0x0] =	vst.idx.add.f32.msk $0xffff, v1  }
0x110: {  	v2 =	vld [tilespmem:$0xA0];
	_ =	sdelay $0x7  }
0x111: {  	[tilespmem:v2+s3+$0x0] =	vst.idx.add.f32.msk $0xffff, v1  }
0x112: {  	v2 =	vld [tilespmem:$0xB0];
	_ =	sdelay $0x7  }
0x113: {  	[tilespmem:v2+s3+$0x0] =	vst.idx.add.f32.msk $0xffff, v1  }
0x114: {  	v2 =	vld [tilespmem:$0xC0];
	_ =	sdelay $0x7  }
0x115: {  	[tilespmem:v2+s3+$0x0] =	vst.idx.add.f32.msk $0xffff, v1  }
0x116: {  	_ =	swait.ge [sflag:s12], $0x2800  }
0x117: {  	[sflag:s12] =	ssyncset.done $0x0  }
0x118: {  	[sflag:s12] =	ssyncadd.s32 $0xFFFFD800  }
.Ltmp4:
0x119: {  	_ =	swait.ge [sflag:s18], $0x2800;
	(pc) =	sbr.rel @p1 .LBB2_7-.Ltmp4, $3  }
0x11a: {  	[sflag:s18] =	ssyncset.done $0x0  }
0x11b: {  	[sflag:s18] =	ssyncadd.s32 $0xFFFFD800  }
0x11c: {  	[bflag:$0x0] =	sbarrier.arrive $0xFFFF;
	_ =	sdelay $0x1  }
.Ltmp5:
0x11d: {  	(pc) =	sbr.rel @p2 .LBB2_8-.Ltmp5, $4  }
.Ltmp6:
0x11e: {  	(pc) =	sbr.rel @!p2 .LBB2_9-.Ltmp6, $4  }
0x11f: {  	s13 =	rddreg [dreg:$0x13]  }
0x120: {  	[hbm:s13], [sflag:s10] =	dma.local [spmem:s20], $0x2700  }
0x121: {  	s20 =	rddreg [dreg:$0x8]  }
0x122: {  	_ = 	snop  }
.LBB2_7:
.Ltmp7:
0x123: {  	(pc) =	sbr.rel @p0 .LBB2_9-.Ltmp7, $4  }
.Ltmp8:
0x124: {  	(pc) =	sbr.rel @!p0 .LBB2_8-.Ltmp8, $4  }
0x125: {  	s13 =	rddreg [dreg:$0x12]  }
0x126: {  	[hbm:s13], [sflag:s10] =	dma.local [spmem:s20], $0x2700  }
0x127: {  	s20 =	rddreg [dreg:$0x9]  }
0x128: {  	_ = 	snop  }
.LBB2_10:
0x129: {  	_ =	sfence.sel $0x180000  }
0x12a: {  	[bflag:$0x0] =	sbarrier.arrive $0xFFFF  }
0x12b: {  	_ =	strace $0x90000047  }
0x12c: {  	s0 =	stileid.u32;
	[bflag:$0x2] =	sbarrier.arrive $0xFFFF  }
0x12d: {  	p0 =	sne.s32 s0, $0x0;
	s0 =	rddreg [dreg:$0x4]  }
0x12e: {  	s0 =	sadd.s32 @!p0 $0x100000, s0  }
0x12f: {  	[sflag:s0] =	ssyncadd.tile.s32 @!p0 $0x1;
	_ =	shalt  }
.Lfunc_end2:
_tile_overlayer_lowered:
.L_overlay_start_2:
0x130: {  	(tag) =	ssettag $0x2  }
0x131: {  	s0 =	rddreg [dreg:$0x0];
	s2 =	stileid.u32  }
0x132: {  	s1 =	rddreg [dreg:$0x1];
	p0 =	sne.s32 s2, $0x0  }
0x133: {  	s3 =	rddreg [dreg:$0x2];
	[bflag:$0x3] =	sbarrier.arrive $0xFFFF;
	s2 =	simm.s32 @!p0 $0x1C09  }
0x134: {  	[timem:s3], [sflag:s2] =	dma.local @!p0 [hbm:s0], s1  }
0x135: {  	s0 =	simm.s32 @!p0 $0x9  }
0x136: {  	_ =	swait.ge @!p0 [sflag:s0], s1  }
0x137: {  	s1 =	ssub.s32 @!p0 $0x0, s1;
	[sflag:s0] =	ssyncset.done @!p0 $0x0  }
0x138: {  	[sflag:s0] =	ssyncadd.s32 @!p0 s1  }
0x139: {  	[bflag:$0x3] =	sbarrier.arrive $0xFFFF  }
0x13a: {  	_ =	shalt  }

</sc_bundles>
